<compile_context>
chip_gen: v7x
topology: tpu7x:2x2x1
jax: 0.10.2.dev20260603
libtpu: 0.0.44.dev20260713+nightly
codegen_flags: <defaults>
</compile_context>

<pallas_src>
import functools

import jax
import jax.numpy as jnp
from jax import lax
from jax.experimental import pallas as pl
from jax.experimental.pallas import tpu as pltpu
from jax.experimental.pallas import tpu_sc as plsc

DIM = 64
VL = 16
NBUF = 3
UNROLL = 16


def kernel(group_idx, weight):
    b, s = group_idx.shape
    v = weight.shape[0]
    idx_t = jnp.transpose(group_idx.astype(jnp.int32))
    w_t = jnp.transpose(weight)

    info = plsc.get_sparse_core_info()
    nc, ns = info.num_cores, info.num_subcores
    nw = nc * ns
    n_pass = DIM // nw
    n_jpairs = s // NBUF

    mesh = plsc.VectorSubcoreMesh(core_axis_name="c", subcore_axis_name="s")

    @functools.partial(
        pl.kernel,
        mesh=mesh,
        out_type=jax.ShapeDtypeStruct((s, DIM, b), jnp.float32),
        scratch_types=(
            [pltpu.VMEM((v,), jnp.float32)]
            + [pltpu.VMEM((b,), jnp.int32) for _ in range(NBUF)]
            + [pltpu.VMEM((b,), jnp.float32) for _ in range(NBUF)]
            + [pltpu.SemaphoreType.DMA] * (2 * NBUF)
        ),
        compiler_params=pltpu.CompilerParams(
            use_tc_tiling_on_sc=True, needs_layout_passes=False
        ),
    )
    def gather_kernel(w_hbm, idx_hbm, out_hbm,
                      col_v, idx_v0, idx_v1, idx_v2, res_v0, res_v1, res_v2,
                      si0, si1, si2, sr0, sr1, sr2):
        wid = lax.axis_index("s") * nc + lax.axis_index("c")
        idx_v = (idx_v0, idx_v1, idx_v2)
        res_v = (res_v0, res_v1, res_v2)
        si = (si0, si1, si2)
        sr = (sr0, sr1, sr2)

        def issue_idx(j, bb):
            pltpu.async_copy(idx_hbm.at[j], idx_v[bb], si[bb])

        def drain_idx(bb):
            pltpu.make_async_copy(idx_hbm.at[0], idx_v[bb], si[bb]).wait()

        def drain_res(bb):
            pltpu.make_async_copy(res_v[bb], out_hbm.at[0, 0], sr[bb]).wait()

        def gather_row(bb):
            @plsc.parallel_loop(0, b, step=VL, unroll=UNROLL)
            def grp(o):
                ii = idx_v[bb][pl.ds(o, VL)]
                res_v[bb][pl.ds(o, VL)] = plsc.load_gather(col_v, [ii])

        def do_pass(k):
            pltpu.sync_copy(w_hbm.at[k], col_v)
            issue_idx(0, 0)
            issue_idx(1, 1)

            def slot(j, bb, prefetch, static_tail=False):
                if prefetch:
                    issue_idx(j + 2, (bb + 2) % NBUF)
                drain_idx(bb)
                if static_tail:
                    drain_res(bb)
                else:
                    @pl.when(j >= NBUF)
                    def _():
                        drain_res(bb)
                gather_row(bb)
                pltpu.async_copy(res_v[bb], out_hbm.at[j, k], sr[bb])

            def body(p, carry):
                j = p * NBUF
                slot(j, 0, True)
                slot(j + 1, 1, True)
                slot(j + 2, 2, True)
                return carry

            lax.fori_loop(0, (s - 2) // NBUF, body, 0)
            slot(jnp.int32(s - 2), (s - 2) % NBUF, False, static_tail=True)
            slot(jnp.int32(s - 1), (s - 1) % NBUF, False, static_tail=True)
            for t in range(NBUF):
                drain_res((s - NBUF + t) % NBUF)

        for p in range(n_pass):
            do_pass(wid + p * nw)

    out_t = gather_kernel(w_t, idx_t)
    return jnp.transpose(out_t, (2, 0, 1))

# --- scband reference (transcript-rebuilt; emitter-appended) ---
"""Pipeline reference for scband-time-pos-encoding-57870389346394 (READ-ONLY COPY).

The authoritative reference and input builder live on the scoring server;
editing this copy changes nothing except your own understanding.
"""

import jax, jax.numpy as jnp
import numpy as np
import math

DIM = 64
NUM_TIMESTEPS = 100000
FREQ = 100.0

def _build_pe(n, d, freq):
    position = jnp.arange(n, dtype=jnp.float32)[:, None]
    div_term = jnp.exp(jnp.arange(0, d, 2, dtype=jnp.float32) * (-math.log(freq) / d))
    pe = jnp.zeros((n, d), dtype=jnp.float32)
    pe = pe.at[:, 0::2].set(jnp.sin(position * div_term))
    pe = pe.at[:, 1::2].set(jnp.cos(position * div_term))
    return pe

def setup_inputs(seed: int = 0) -> dict:
    key = jax.random.key(seed)
    group_idx = jax.random.randint(key, (4096, 200), 0, NUM_TIMESTEPS, dtype=jnp.int64 if jax.config.jax_enable_x64 else jnp.int32)
    weight = _build_pe(NUM_TIMESTEPS, DIM, FREQ)
    return {"group_idx": group_idx, "weight": weight}

def reference(group_idx, weight):
    positional_encodings = jnp.take(weight, group_idx, axis=0)
    return positional_encodings

if __name__ == "__main__":
    import jax
    _d = setup_inputs()
    print(jax.jit(kernel)(*tuple(_d.values())))

</pallas_src>

<mosaic_0001>
#map = affine_map<(d0, d1) -> (0, 0)>
#map1 = affine_map<(d0, d1) -> (0, 0, 0)>
module attributes {stable_mosaic.version = 14 : i64} {
  func.func @gather_kernel(%arg0: i32, %arg1: i32, %arg2: memref<64x100000xf32, #tpu.memory_space<hbm>>, %arg3: memref<200x4096xi32, #tpu.memory_space<hbm>>, %arg4: memref<200x64x4096xf32, #tpu.memory_space<hbm>>, %arg5: memref<100000xf32, #tpu.memory_space<vmem>>, %arg6: memref<4096xi32, #tpu.memory_space<vmem>>, %arg7: memref<4096xi32, #tpu.memory_space<vmem>>, %arg8: memref<4096xi32, #tpu.memory_space<vmem>>, %arg9: memref<4096xf32, #tpu.memory_space<vmem>>, %arg10: memref<4096xf32, #tpu.memory_space<vmem>>, %arg11: memref<4096xf32, #tpu.memory_space<vmem>>, %arg12: memref<!tpu.dma_semaphore, #tpu.memory_space<semaphore_mem>>, %arg13: memref<!tpu.dma_semaphore, #tpu.memory_space<semaphore_mem>>, %arg14: memref<!tpu.dma_semaphore, #tpu.memory_space<semaphore_mem>>, %arg15: memref<!tpu.dma_semaphore, #tpu.memory_space<semaphore_mem>>, %arg16: memref<!tpu.dma_semaphore, #tpu.memory_space<semaphore_mem>>, %arg17: memref<!tpu.dma_semaphore, #tpu.memory_space<semaphore_mem>>) attributes {dimension_semantics = [#tpu.dimension_semantics<core_parallel>, #tpu.dimension_semantics<subcore_parallel>], iteration_bounds = array<i64: 2, 16>, scalar_prefetch = 0 : i64, scratch_operands = 13 : i64, tpu.core_type = #tpu.core_type<sc_vector_subcore>, window_params = [{transform_indices = #map}, {transform_indices = #map}, {transform_indices = #map1}]} {
    %mul3A = arith.constant 2 : i32
    %mul3A_0 = arith.muli %arg1, %mul3A : i32
    %add3A = arith.addi %mul3A_0, %arg0 : i32
    %add3A_1 = arith.constant 0 : i32
    %add3A_2 = arith.addi %add3A, %add3A_1 : i32
    "tpu.region"() ({
      %run_scoped3A = tpu.sem_alloc : memref<!tpu.dma_semaphore, #tpu.memory_space<semaphore_mem>>
      %dma_start3A_189 = arith.constant 0 : i32
      %dma_start3A_190 = tpu.memref_slice %arg2[%add3A_2, %dma_start3A_189] : memref<64x100000xf32, #tpu.memory_space<hbm>> -> memref<1x100000xf32, #tpu.memory_space<hbm>>
      %dma_start3A_191 = tpu.memref_squeeze %dma_start3A_190 : memref<1x100000xf32, #tpu.memory_space<hbm>> -> memref<100000xf32, #tpu.memory_space<hbm>>
      %dma_start3A_192 = arith.constant 0 : i32
      %dma_start3A_193 = tpu.memref_slice %arg2[%add3A_2, %dma_start3A_192] : memref<64x100000xf32, #tpu.memory_space<hbm>> -> memref<1x100000xf32, #tpu.memory_space<hbm>>
      %dma_start3A_194 = tpu.memref_squeeze %dma_start3A_193 : memref<1x100000xf32, #tpu.memory_space<hbm>> -> memref<100000xf32, #tpu.memory_space<hbm>>
      tpu.enqueue_dma source(%dma_start3A_194 : memref<100000xf32, #tpu.memory_space<hbm>>) target(%arg5 : memref<100000xf32, #tpu.memory_space<vmem>>) target_semaphore(%run_scoped3A : memref<!tpu.dma_semaphore, #tpu.memory_space<semaphore_mem>>)
      %dma_wait3A_195 = arith.constant 0 : i32
      %dma_wait3A_196 = tpu.memref_slice %arg2[%add3A_2, %dma_wait3A_195] : memref<64x100000xf32, #tpu.memory_space<hbm>> -> memref<1x100000xf32, #tpu.memory_space<hbm>>
      %dma_wait3A_197 = tpu.memref_squeeze %dma_wait3A_196 : memref<1x100000xf32, #tpu.memory_space<hbm>> -> memref<100000xf32, #tpu.memory_space<hbm>>
      %dma_wait3A_198 = arith.constant 0 : i32
      %dma_wait3A_199 = tpu.memref_slice %arg2[%add3A_2, %dma_wait3A_198] : memref<64x100000xf32, #tpu.memory_space<hbm>> -> memref<1x100000xf32, #tpu.memory_space<hbm>>
      %dma_wait3A_200 = tpu.memref_squeeze %dma_wait3A_199 : memref<1x100000xf32, #tpu.memory_space<hbm>> -> memref<100000xf32, #tpu.memory_space<hbm>>
      tpu.wait_dma2 semaphore(%run_scoped3A : memref<!tpu.dma_semaphore, #tpu.memory_space<semaphore_mem>>) src(%dma_wait3A_200 : memref<100000xf32, #tpu.memory_space<hbm>>) dst(%arg5 : memref<100000xf32, #tpu.memory_space<vmem>>)
      tpu.yield
    }) : () -> ()
    %dma_start3A = arith.constant 0 : i32
    %dma_start3A_3 = arith.constant 0 : i32
    %dma_start3A_4 = tpu.memref_slice %arg3[%dma_start3A, %dma_start3A_3] : memref<200x4096xi32, #tpu.memory_space<hbm>> -> memref<1x4096xi32, #tpu.memory_space<hbm>>
    %dma_start3A_5 = tpu.memref_squeeze %dma_start3A_4 : memref<1x4096xi32, #tpu.memory_space<hbm>> -> memref<4096xi32, #tpu.memory_space<hbm>>
    %dma_start3A_6 = arith.constant 0 : i32
    %dma_start3A_7 = tpu.memref_slice %arg3[%dma_start3A, %dma_start3A_6] : memref<200x4096xi32, #tpu.memory_space<hbm>> -> memref<1x4096xi32, #tpu.memory_space<hbm>>
    %dma_start3A_8 = tpu.memref_squeeze %dma_start3A_7 : memref<1x4096xi32, #tpu.memory_space<hbm>> -> memref<4096xi32, #tpu.memory_space<hbm>>
    tpu.enqueue_dma source(%dma_start3A_8 : memref<4096xi32, #tpu.memory_space<hbm>>) target(%arg6 : memref<4096xi32, #tpu.memory_space<vmem>>) target_semaphore(%arg12 : memref<!tpu.dma_semaphore, #tpu.memory_space<semaphore_mem>>)
    %dma_start3A_9 = arith.constant 1 : i32
    %dma_start3A_10 = arith.constant 0 : i32
    %dma_start3A_11 = tpu.memref_slice %arg3[%dma_start3A_9, %dma_start3A_10] : memref<200x4096xi32, #tpu.memory_space<hbm>> -> memref<1x4096xi32, #tpu.memory_space<hbm>>
    %dma_start3A_12 = tpu.memref_squeeze %dma_start3A_11 : memref<1x4096xi32, #tpu.memory_space<hbm>> -> memref<4096xi32, #tpu.memory_space<hbm>>
    %dma_start3A_13 = arith.constant 0 : i32
    %dma_start3A_14 = tpu.memref_slice %arg3[%dma_start3A_9, %dma_start3A_13] : memref<200x4096xi32, #tpu.memory_space<hbm>> -> memref<1x4096xi32, #tpu.memory_space<hbm>>
    %dma_start3A_15 = tpu.memref_squeeze %dma_start3A_14 : memref<1x4096xi32, #tpu.memory_space<hbm>> -> memref<4096xi32, #tpu.memory_space<hbm>>
    tpu.enqueue_dma source(%dma_start3A_15 : memref<4096xi32, #tpu.memory_space<hbm>>) target(%arg7 : memref<4096xi32, #tpu.memory_space<vmem>>) target_semaphore(%arg13 : memref<!tpu.dma_semaphore, #tpu.memory_space<semaphore_mem>>)
    %scan3A = arith.constant 0 : i32
    %scan3A_16 = arith.constant 0 : i32
    %scan3A_17 = arith.constant 66 : i32
    %scan3A_18 = arith.addi %scan3A_16, %scan3A_17 : i32
    %scan3A_19 = arith.constant 1 : i32
    scf.for %scan3A_189 = %scan3A_16 to %scan3A_18 step %scan3A_19  : i32 {
      %mul3A_190 = arith.constant 3 : i32
      %mul3A_191 = arith.muli %scan3A_189, %mul3A_190 : i32
      %add3A_192 = arith.constant 2 : i32
      %add3A_193 = arith.addi %mul3A_191, %add3A_192 : i32
      %dma_start3A_194 = arith.constant 0 : i32
      %dma_start3A_195 = tpu.memref_slice %arg3[%add3A_193, %dma_start3A_194] : memref<200x4096xi32, #tpu.memory_space<hbm>> -> memref<1x4096xi32, #tpu.memory_space<hbm>>
      %dma_start3A_196 = tpu.memref_squeeze %dma_start3A_195 : memref<1x4096xi32, #tpu.memory_space<hbm>> -> memref<4096xi32, #tpu.memory_space<hbm>>
      %dma_start3A_197 = arith.constant 0 : i32
      %dma_start3A_198 = tpu.memref_slice %arg3[%add3A_193, %dma_start3A_197] : memref<200x4096xi32, #tpu.memory_space<hbm>> -> memref<1x4096xi32, #tpu.memory_space<hbm>>
      %dma_start3A_199 = tpu.memref_squeeze %dma_start3A_198 : memref<1x4096xi32, #tpu.memory_space<hbm>> -> memref<4096xi32, #tpu.memory_space<hbm>>
      tpu.enqueue_dma source(%dma_start3A_199 : memref<4096xi32, #tpu.memory_space<hbm>>) target(%arg8 : memref<4096xi32, #tpu.memory_space<vmem>>) target_semaphore(%arg14 : memref<!tpu.dma_semaphore, #tpu.memory_space<semaphore_mem>>)
      %dma_wait3A_200 = arith.constant 0 : i32
      %dma_wait3A_201 = arith.constant 0 : i32
      %dma_wait3A_202 = tpu.memref_slice %arg3[%dma_wait3A_200, %dma_wait3A_201] : memref<200x4096xi32, #tpu.memory_space<hbm>> -> memref<1x4096xi32, #tpu.memory_space<hbm>>
      %dma_wait3A_203 = tpu.memref_squeeze %dma_wait3A_202 : memref<1x4096xi32, #tpu.memory_space<hbm>> -> memref<4096xi32, #tpu.memory_space<hbm>>
      %dma_wait3A_204 = arith.constant 0 : i32
      %dma_wait3A_205 = tpu.memref_slice %arg3[%dma_wait3A_200, %dma_wait3A_204] : memref<200x4096xi32, #tpu.memory_space<hbm>> -> memref<1x4096xi32, #tpu.memory_space<hbm>>
      %dma_wait3A_206 = tpu.memref_squeeze %dma_wait3A_205 : memref<1x4096xi32, #tpu.memory_space<hbm>> -> memref<4096xi32, #tpu.memory_space<hbm>>
      tpu.wait_dma2 semaphore(%arg12 : memref<!tpu.dma_semaphore, #tpu.memory_space<semaphore_mem>>) src(%dma_wait3A_206 : memref<4096xi32, #tpu.memory_space<hbm>>) dst(%arg6 : memref<4096xi32, #tpu.memory_space<vmem>>)
      %ge3A = arith.constant 3 : i32
      %ge3A_207 = arith.cmpi sge, %mul3A_191, %ge3A : i32
      %convert_element_type3A = arith.extui %ge3A_207 : i1 to i32
      %cond3A = arith.constant 0 : i32
      %cond3A_208 = arith.cmpi ne, %convert_element_type3A, %cond3A : i32
      scf.if %cond3A_208 {
        %dma_wait3A_280 = arith.constant 0 : i32
        %dma_wait3A_281 = arith.constant 0 : i32
        %dma_wait3A_282 = arith.constant 0 : i32
        %dma_wait3A_283 = tpu.memref_slice %arg4[%dma_wait3A_280, %dma_wait3A_281, %dma_wait3A_282] : memref<200x64x4096xf32, #tpu.memory_space<hbm>> -> memref<1x1x4096xf32, #tpu.memory_space<hbm>>
        %dma_wait3A_284 = tpu.memref_squeeze %dma_wait3A_283 : memref<1x1x4096xf32, #tpu.memory_space<hbm>> -> memref<4096xf32, #tpu.memory_space<hbm>>
        %dma_wait3A_285 = arith.constant 0 : i32
        %dma_wait3A_286 = tpu.memref_slice %arg4[%dma_wait3A_280, %dma_wait3A_281, %dma_wait3A_285] : memref<200x64x4096xf32, #tpu.memory_space<hbm>> -> memref<1x1x4096xf32, #tpu.memory_space<hbm>>
        %dma_wait3A_287 = tpu.memref_squeeze %dma_wait3A_286 : memref<1x1x4096xf32, #tpu.memory_space<hbm>> -> memref<4096xf32, #tpu.memory_space<hbm>>
        tpu.wait_dma2 semaphore(%arg15 : memref<!tpu.dma_semaphore, #tpu.memory_space<semaphore_mem>>) src(%arg9 : memref<4096xf32, #tpu.memory_space<vmem>>) dst(%dma_wait3A_287 : memref<4096xf32, #tpu.memory_space<hbm>>)
      } else {
      }
      %parallel_loop3A_209 = arith.constant 0 : i32
      %parallel_loop3A_210 = arith.constant 4096 : i32
      %parallel_loop3A_211 = arith.constant 16 : i32
      scf.for %parallel_loop3A_280 = %parallel_loop3A_209 to %parallel_loop3A_210 step %parallel_loop3A_211  : i32 {
        %parallel_loop3A_281 = arith.index_cast %parallel_loop3A_280 : i32 to index
        %parallel_loop3A_282 = tpu.vector_load %arg6[%parallel_loop3A_281] {strides = array<i32>} : memref<4096xi32, #tpu.memory_space<vmem>>, vector<16xi32>,
        %parallel_loop3A_283 = tpu.vector_load_idx %arg5[%parallel_loop3A_282] : memref<100000xf32, #tpu.memory_space<vmem>>[vector<16xi32>], vector<16xf32>,
        %parallel_loop3A_284 = arith.index_cast %parallel_loop3A_280 : i32 to index
        %parallel_loop3A_285 = tpu.vector_load %arg9[%parallel_loop3A_284] {strides = array<i32>} : memref<4096xf32, #tpu.memory_space<vmem>>, vector<16xf32>,
        tpu.vector_store %arg9[%parallel_loop3A_284], %parallel_loop3A_283 {strides = array<i32>} : memref<4096xf32, #tpu.memory_space<vmem>>, vector<16xf32>,
      } {sc.loop_unroll_factor = 16 : i64, sc.parallel_access}
      %dma_start3A_212 = arith.constant 0 : i32
      %dma_start3A_213 = tpu.memref_slice %arg4[%mul3A_191, %add3A_2, %dma_start3A_212] : memref<200x64x4096xf32, #tpu.memory_space<hbm>> -> memref<1x1x4096xf32, #tpu.memory_space<hbm>>
      %dma_start3A_214 = tpu.memref_squeeze %dma_start3A_213 : memref<1x1x4096xf32, #tpu.memory_space<hbm>> -> memref<4096xf32, #tpu.memory_space<hbm>>
      %dma_start3A_215 = arith.constant 0 : i32
      %dma_start3A_216 = tpu.memref_slice %arg4[%mul3A_191, %add3A_2, %dma_start3A_215] : memref<200x64x4096xf32, #tpu.memory_space<hbm>> -> memref<1x1x4096xf32, #tpu.memory_space<hbm>>
      %dma_start3A_217 = tpu.memref_squeeze %dma_start3A_216 : memref<1x1x4096xf32, #tpu.memory_space<hbm>> -> memref<4096xf32, #tpu.memory_space<hbm>>
      tpu.enqueue_dma source(%arg9 : memref<4096xf32, #tpu.memory_space<vmem>>) target(%dma_start3A_217 : memref<4096xf32, #tpu.memory_space<hbm>>) target_semaphore(%arg15 : memref<!tpu.dma_semaphore, #tpu.memory_space<semaphore_mem>>)
      %add3A_218 = arith.constant 1 : i32
      %add3A_219 = arith.addi %mul3A_191, %add3A_218 : i32
      %add3A_220 = arith.constant 2 : i32
      %add3A_221 = arith.addi %add3A_219, %add3A_220 : i32
      %dma_start3A_222 = arith.constant 0 : i32
      %dma_start3A_223 = tpu.memref_slice %arg3[%add3A_221, %dma_start3A_222] : memref<200x4096xi32, #tpu.memory_space<hbm>> -> memref<1x4096xi32, #tpu.memory_space<hbm>>
      %dma_start3A_224 = tpu.memref_squeeze %dma_start3A_223 : memref<1x4096xi32, #tpu.memory_space<hbm>> -> memref<4096xi32, #tpu.memory_space<hbm>>
      %dma_start3A_225 = arith.constant 0 : i32
      %dma_start3A_226 = tpu.memref_slice %arg3[%add3A_221, %dma_start3A_225] : memref<200x4096xi32, #tpu.memory_space<hbm>> -> memref<1x4096xi32, #tpu.memory_space<hbm>>
      %dma_start3A_227 = tpu.memref_squeeze %dma_start3A_226 : memref<1x4096xi32, #tpu.memory_space<hbm>> -> memref<4096xi32, #tpu.memory_space<hbm>>
      tpu.enqueue_dma source(%dma_start3A_227 : memref<4096xi32, #tpu.memory_space<hbm>>) target(%arg6 : memref<4096xi32, #tpu.memory_space<vmem>>) target_semaphore(%arg12 : memref<!tpu.dma_semaphore, #tpu.memory_space<semaphore_mem>>)
      %dma_wait3A_228 = arith.constant 0 : i32
      %dma_wait3A_229 = arith.constant 0 : i32
      %dma_wait3A_230 = tpu.memref_slice %arg3[%dma_wait3A_228, %dma_wait3A_229] : memref<200x4096xi32, #tpu.memory_space<hbm>> -> memref<1x4096xi32, #tpu.memory_space<hbm>>
      %dma_wait3A_231 = tpu.memref_squeeze %dma_wait3A_230 : memref<1x4096xi32, #tpu.memory_space<hbm>> -> memref<4096xi32, #tpu.memory_space<hbm>>
      %dma_wait3A_232 = arith.constant 0 : i32
      %dma_wait3A_233 = tpu.memref_slice %arg3[%dma_wait3A_228, %dma_wait3A_232] : memref<200x4096xi32, #tpu.memory_space<hbm>> -> memref<1x4096xi32, #tpu.memory_space<hbm>>
      %dma_wait3A_234 = tpu.memref_squeeze %dma_wait3A_233 : memref<1x4096xi32, #tpu.memory_space<hbm>> -> memref<4096xi32, #tpu.memory_space<hbm>>
      tpu.wait_dma2 semaphore(%arg13 : memref<!tpu.dma_semaphore, #tpu.memory_space<semaphore_mem>>) src(%dma_wait3A_234 : memref<4096xi32, #tpu.memory_space<hbm>>) dst(%arg7 : memref<4096xi32, #tpu.memory_space<vmem>>)
      %ge3A_235 = arith.constant 3 : i32
      %ge3A_236 = arith.cmpi sge, %add3A_219, %ge3A_235 : i32
      %convert_element_type3A_237 = arith.extui %ge3A_236 : i1 to i32
      %cond3A_238 = arith.constant 0 : i32
      %cond3A_239 = arith.cmpi ne, %convert_element_type3A_237, %cond3A_238 : i32
      scf.if %cond3A_239 {
        %dma_wait3A_280 = arith.constant 0 : i32
        %dma_wait3A_281 = arith.constant 0 : i32
        %dma_wait3A_282 = arith.constant 0 : i32
        %dma_wait3A_283 = tpu.memref_slice %arg4[%dma_wait3A_280, %dma_wait3A_281, %dma_wait3A_282] : memref<200x64x4096xf32, #tpu.memory_space<hbm>> -> memref<1x1x4096xf32, #tpu.memory_space<hbm>>
        %dma_wait3A_284 = tpu.memref_squeeze %dma_wait3A_283 : memref<1x1x4096xf32, #tpu.memory_space<hbm>> -> memref<4096xf32, #tpu.memory_space<hbm>>
        %dma_wait3A_285 = arith.constant 0 : i32
        %dma_wait3A_286 = tpu.memref_slice %arg4[%dma_wait3A_280, %dma_wait3A_281, %dma_wait3A_285] : memref<200x64x4096xf32, #tpu.memory_space<hbm>> -> memref<1x1x4096xf32, #tpu.memory_space<hbm>>
        %dma_wait3A_287 = tpu.memref_squeeze %dma_wait3A_286 : memref<1x1x4096xf32, #tpu.memory_space<hbm>> -> memref<4096xf32, #tpu.memory_space<hbm>>
        tpu.wait_dma2 semaphore(%arg16 : memref<!tpu.dma_semaphore, #tpu.memory_space<semaphore_mem>>) src(%arg10 : memref<4096xf32, #tpu.memory_space<vmem>>) dst(%dma_wait3A_287 : memref<4096xf32, #tpu.memory_space<hbm>>)
      } else {
      }
      %parallel_loop3A_240 = arith.constant 0 : i32
      %parallel_loop3A_241 = arith.constant 4096 : i32
      %parallel_loop3A_242 = arith.constant 16 : i32
      scf.for %parallel_loop3A_280 = %parallel_loop3A_240 to %parallel_loop3A_241 step %parallel_loop3A_242  : i32 {
        %parallel_loop3A_281 = arith.index_cast %parallel_loop3A_280 : i32 to index
        %parallel_loop3A_282 = tpu.vector_load %arg7[%parallel_loop3A_281] {strides = array<i32>} : memref<4096xi32, #tpu.memory_space<vmem>>, vector<16xi32>,
        %parallel_loop3A_283 = tpu.vector_load_idx %arg5[%parallel_loop3A_282] : memref<100000xf32, #tpu.memory_space<vmem>>[vector<16xi32>], vector<16xf32>,
        %parallel_loop3A_284 = arith.index_cast %parallel_loop3A_280 : i32 to index
        %parallel_loop3A_285 = tpu.vector_load %arg10[%parallel_loop3A_284] {strides = array<i32>} : memref<4096xf32, #tpu.memory_space<vmem>>, vector<16xf32>,
        tpu.vector_store %arg10[%parallel_loop3A_284], %parallel_loop3A_283 {strides = array<i32>} : memref<4096xf32, #tpu.memory_space<vmem>>, vector<16xf32>,
      } {sc.loop_unroll_factor = 16 : i64, sc.parallel_access}
      %dma_start3A_243 = arith.constant 0 : i32
      %dma_start3A_244 = tpu.memref_slice %arg4[%add3A_219, %add3A_2, %dma_start3A_243] : memref<200x64x4096xf32, #tpu.memory_space<hbm>> -> memref<1x1x4096xf32, #tpu.memory_space<hbm>>
      %dma_start3A_245 = tpu.memref_squeeze %dma_start3A_244 : memref<1x1x4096xf32, #tpu.memory_space<hbm>> -> memref<4096xf32, #tpu.memory_space<hbm>>
      %dma_start3A_246 = arith.constant 0 : i32
      %dma_start3A_247 = tpu.memref_slice %arg4[%add3A_219, %add3A_2, %dma_start3A_246] : memref<200x64x4096xf32, #tpu.memory_space<hbm>> -> memref<1x1x4096xf32, #tpu.memory_space<hbm>>
      %dma_start3A_248 = tpu.memref_squeeze %dma_start3A_247 : memref<1x1x4096xf32, #tpu.memory_space<hbm>> -> memref<4096xf32, #tpu.memory_space<hbm>>
      tpu.enqueue_dma source(%arg10 : memref<4096xf32, #tpu.memory_space<vmem>>) target(%dma_start3A_248 : memref<4096xf32, #tpu.memory_space<hbm>>) target_semaphore(%arg16 : memref<!tpu.dma_semaphore, #tpu.memory_space<semaphore_mem>>)
      %add3A_249 = arith.constant 2 : i32
      %add3A_250 = arith.addi %mul3A_191, %add3A_249 : i32
      %add3A_251 = arith.constant 2 : i32
      %add3A_252 = arith.addi %add3A_250, %add3A_251 : i32
      %dma_start3A_253 = arith.constant 0 : i32
      %dma_start3A_254 = tpu.memref_slice %arg3[%add3A_252, %dma_start3A_253] : memref<200x4096xi32, #tpu.memory_space<hbm>> -> memref<1x4096xi32, #tpu.memory_space<hbm>>
      %dma_start3A_255 = tpu.memref_squeeze %dma_start3A_254 : memref<1x4096xi32, #tpu.memory_space<hbm>> -> memref<4096xi32, #tpu.memory_space<hbm>>
      %dma_start3A_256 = arith.constant 0 : i32
      %dma_start3A_257 = tpu.memref_slice %arg3[%add3A_252, %dma_start3A_256] : memref<200x4096xi32, #tpu.memory_space<hbm>> -> memref<1x4096xi32, #tpu.memory_space<hbm>>
      %dma_start3A_258 = tpu.memref_squeeze %dma_start3A_257 : memref<1x4096xi32, #tpu.memory_space<hbm>> -> memref<4096xi32, #tpu.memory_space<hbm>>
      tpu.enqueue_dma source(%dma_start3A_258 : memref<4096xi32, #tpu.memory_space<hbm>>) target(%arg7 : memref<4096xi32, #tpu.memory_space<vmem>>) target_semaphore(%arg13 : memref<!tpu.dma_semaphore, #tpu.memory_space<semaphore_mem>>)
      %dma_wait3A_259 = arith.constant 0 : i32
      %dma_wait3A_260 = arith.constant 0 : i32
      %dma_wait3A_261 = tpu.memref_slice %arg3[%dma_wait3A_259, %dma_wait3A_260] : memref<200x4096xi32, #tpu.memory_space<hbm>> -> memref<1x4096xi32, #tpu.memory_space<hbm>>
      %dma_wait3A_262 = tpu.memref_squeeze %dma_wait3A_261 : memref<1x4096xi32, #tpu.memory_space<hbm>> -> memref<4096xi32, #tpu.memory_space<hbm>>
      %dma_wait3A_263 = arith.constant 0 : i32
      %dma_wait3A_264 = tpu.memref_slice %arg3[%dma_wait3A_259, %dma_wait3A_263] : memref<200x4096xi32, #tpu.memory_space<hbm>> -> memref<1x4096xi32, #tpu.memory_space<hbm>>
      %dma_wait3A_265 = tpu.memref_squeeze %dma_wait3A_264 : memref<1x4096xi32, #tpu.memory_space<hbm>> -> memref<4096xi32, #tpu.memory_space<hbm>>
      tpu.wait_dma2 semaphore(%arg14 : memref<!tpu.dma_semaphore, #tpu.memory_space<semaphore_mem>>) src(%dma_wait3A_265 : memref<4096xi32, #tpu.memory_space<hbm>>) dst(%arg8 : memref<4096xi32, #tpu.memory_space<vmem>>)
      %ge3A_266 = arith.constant 3 : i32
      %ge3A_267 = arith.cmpi sge, %add3A_250, %ge3A_266 : i32
      %convert_element_type3A_268 = arith.extui %ge3A_267 : i1 to i32
      %cond3A_269 = arith.constant 0 : i32
      %cond3A_270 = arith.cmpi ne, %convert_element_type3A_268, %cond3A_269 : i32
      scf.if %cond3A_270 {
        %dma_wait3A_280 = arith.constant 0 : i32
        %dma_wait3A_281 = arith.constant 0 : i32
        %dma_wait3A_282 = arith.constant 0 : i32
        %dma_wait3A_283 = tpu.memref_slice %arg4[%dma_wait3A_280, %dma_wait3A_281, %dma_wait3A_282] : memref<200x64x4096xf32, #tpu.memory_space<hbm>> -> memref<1x1x4096xf32, #tpu.memory_space<hbm>>
        %dma_wait3A_284 = tpu.memref_squeeze %dma_wait3A_283 : memref<1x1x4096xf32, #tpu.memory_space<hbm>> -> memref<4096xf32, #tpu.memory_space<hbm>>
        %dma_wait3A_285 = arith.constant 0 : i32
        %dma_wait3A_286 = tpu.memref_slice %arg4[%dma_wait3A_280, %dma_wait3A_281, %dma_wait3A_285] : memref<200x64x4096xf32, #tpu.memory_space<hbm>> -> memref<1x1x4096xf32, #tpu.memory_space<hbm>>
        %dma_wait3A_287 = tpu.memref_squeeze %dma_wait3A_286 : memref<1x1x4096xf32, #tpu.memory_space<hbm>> -> memref<4096xf32, #tpu.memory_space<hbm>>
        tpu.wait_dma2 semaphore(%arg17 : memref<!tpu.dma_semaphore, #tpu.memory_space<semaphore_mem>>) src(%arg11 : memref<4096xf32, #tpu.memory_space<vmem>>) dst(%dma_wait3A_287 : memref<4096xf32, #tpu.memory_space<hbm>>)
      } else {
      }
      %parallel_loop3A_271 = arith.constant 0 : i32
      %parallel_loop3A_272 = arith.constant 4096 : i32
      %parallel_loop3A_273 = arith.constant 16 : i32
      scf.for %parallel_loop3A_280 = %parallel_loop3A_271 to %parallel_loop3A_272 step %parallel_loop3A_273  : i32 {
        %parallel_loop3A_281 = arith.index_cast %parallel_loop3A_280 : i32 to index
        %parallel_loop3A_282 = tpu.vector_load %arg8[%parallel_loop3A_281] {strides = array<i32>} : memref<4096xi32, #tpu.memory_space<vmem>>, vector<16xi32>,
        %parallel_loop3A_283 = tpu.vector_load_idx %arg5[%parallel_loop3A_282] : memref<100000xf32, #tpu.memory_space<vmem>>[vector<16xi32>], vector<16xf32>,
        %parallel_loop3A_284 = arith.index_cast %parallel_loop3A_280 : i32 to index
        %parallel_loop3A_285 = tpu.vector_load %arg11[%parallel_loop3A_284] {strides = array<i32>} : memref<4096xf32, #tpu.memory_space<vmem>>, vector<16xf32>,
        tpu.vector_store %arg11[%parallel_loop3A_284], %parallel_loop3A_283 {strides = array<i32>} : memref<4096xf32, #tpu.memory_space<vmem>>, vector<16xf32>,
      } {sc.loop_unroll_factor = 16 : i64, sc.parallel_access}
      %dma_start3A_274 = arith.constant 0 : i32
      %dma_start3A_275 = tpu.memref_slice %arg4[%add3A_250, %add3A_2, %dma_start3A_274] : memref<200x64x4096xf32, #tpu.memory_space<hbm>> -> memref<1x1x4096xf32, #tpu.memory_space<hbm>>
      %dma_start3A_276 = tpu.memref_squeeze %dma_start3A_275 : memref<1x1x4096xf32, #tpu.memory_space<hbm>> -> memref<4096xf32, #tpu.memory_space<hbm>>
      %dma_start3A_277 = arith.constant 0 : i32
      %dma_start3A_278 = tpu.memref_slice %arg4[%add3A_250, %add3A_2, %dma_start3A_277] : memref<200x64x4096xf32, #tpu.memory_space<hbm>> -> memref<1x1x4096xf32, #tpu.memory_space<hbm>>
      %dma_start3A_279 = tpu.memref_squeeze %dma_start3A_278 : memref<1x1x4096xf32, #tpu.memory_space<hbm>> -> memref<4096xf32, #tpu.memory_space<hbm>>
      tpu.enqueue_dma source(%arg11 : memref<4096xf32, #tpu.memory_space<vmem>>) target(%dma_start3A_279 : memref<4096xf32, #tpu.memory_space<hbm>>) target_semaphore(%arg17 : memref<!tpu.dma_semaphore, #tpu.memory_space<semaphore_mem>>)
    }
    %scan3A_20 = arith.constant 66 : i32
    %dma_wait3A = arith.constant 0 : i32
    %dma_wait3A_21 = arith.constant 0 : i32
    %dma_wait3A_22 = tpu.memref_slice %arg3[%dma_wait3A, %dma_wait3A_21] : memref<200x4096xi32, #tpu.memory_space<hbm>> -> memref<1x4096xi32, #tpu.memory_space<hbm>>
    %dma_wait3A_23 = tpu.memref_squeeze %dma_wait3A_22 : memref<1x4096xi32, #tpu.memory_space<hbm>> -> memref<4096xi32, #tpu.memory_space<hbm>>
    %dma_wait3A_24 = arith.constant 0 : i32
    %dma_wait3A_25 = tpu.memref_slice %arg3[%dma_wait3A, %dma_wait3A_24] : memref<200x4096xi32, #tpu.memory_space<hbm>> -> memref<1x4096xi32, #tpu.memory_space<hbm>>
    %dma_wait3A_26 = tpu.memref_squeeze %dma_wait3A_25 : memref<1x4096xi32, #tpu.memory_space<hbm>> -> memref<4096xi32, #tpu.memory_space<hbm>>
    tpu.wait_dma2 semaphore(%arg12 : memref<!tpu.dma_semaphore, #tpu.memory_space<semaphore_mem>>) src(%dma_wait3A_26 : memref<4096xi32, #tpu.memory_space<hbm>>) dst(%arg6 : memref<4096xi32, #tpu.memory_space<vmem>>)
    %dma_wait3A_27 = arith.constant 0 : i32
    %dma_wait3A_28 = arith.constant 0 : i32
    %dma_wait3A_29 = arith.constant 0 : i32
    %dma_wait3A_30 = tpu.memref_slice %arg4[%dma_wait3A_27, %dma_wait3A_28, %dma_wait3A_29] : memref<200x64x4096xf32, #tpu.memory_space<hbm>> -> memref<1x1x4096xf32, #tpu.memory_space<hbm>>
    %dma_wait3A_31 = tpu.memref_squeeze %dma_wait3A_30 : memref<1x1x4096xf32, #tpu.memory_space<hbm>> -> memref<4096xf32, #tpu.memory_space<hbm>>
    %dma_wait3A_32 = arith.constant 0 : i32
    %dma_wait3A_33 = tpu.memref_slice %arg4[%dma_wait3A_27, %dma_wait3A_28, %dma_wait3A_32] : memref<200x64x4096xf32, #tpu.memory_space<hbm>> -> memref<1x1x4096xf32, #tpu.memory_space<hbm>>
    %dma_wait3A_34 = tpu.memref_squeeze %dma_wait3A_33 : memref<1x1x4096xf32, #tpu.memory_space<hbm>> -> memref<4096xf32, #tpu.memory_space<hbm>>
    tpu.wait_dma2 semaphore(%arg15 : memref<!tpu.dma_semaphore, #tpu.memory_space<semaphore_mem>>) src(%arg9 : memref<4096xf32, #tpu.memory_space<vmem>>) dst(%dma_wait3A_34 : memref<4096xf32, #tpu.memory_space<hbm>>)
    %parallel_loop3A = arith.constant 0 : i32
    %parallel_loop3A_35 = arith.constant 4096 : i32
    %parallel_loop3A_36 = arith.constant 16 : i32
    scf.for %parallel_loop3A_189 = %parallel_loop3A to %parallel_loop3A_35 step %parallel_loop3A_36  : i32 {
      %parallel_loop3A_190 = arith.index_cast %parallel_loop3A_189 : i32 to index
      %parallel_loop3A_191 = tpu.vector_load %arg6[%parallel_loop3A_190] {strides = array<i32>} : memref<4096xi32, #tpu.memory_space<vmem>>, vector<16xi32>,
      %parallel_loop3A_192 = tpu.vector_load_idx %arg5[%parallel_loop3A_191] : memref<100000xf32, #tpu.memory_space<vmem>>[vector<16xi32>], vector<16xf32>,
      %parallel_loop3A_193 = arith.index_cast %parallel_loop3A_189 : i32 to index
      %parallel_loop3A_194 = tpu.vector_load %arg9[%parallel_loop3A_193] {strides = array<i32>} : memref<4096xf32, #tpu.memory_space<vmem>>, vector<16xf32>,
      tpu.vector_store %arg9[%parallel_loop3A_193], %parallel_loop3A_192 {strides = array<i32>} : memref<4096xf32, #tpu.memory_space<vmem>>, vector<16xf32>,
    } {sc.loop_unroll_factor = 16 : i64, sc.parallel_access}
    %dma_start3A_37 = arith.constant 198 : i32
    %dma_start3A_38 = arith.constant 0 : i32
    %dma_start3A_39 = tpu.memref_slice %arg4[%dma_start3A_37, %add3A_2, %dma_start3A_38] : memref<200x64x4096xf32, #tpu.memory_space<hbm>> -> memref<1x1x4096xf32, #tpu.memory_space<hbm>>
    %dma_start3A_40 = tpu.memref_squeeze %dma_start3A_39 : memref<1x1x4096xf32, #tpu.memory_space<hbm>> -> memref<4096xf32, #tpu.memory_space<hbm>>
    %dma_start3A_41 = arith.constant 0 : i32
    %dma_start3A_42 = tpu.memref_slice %arg4[%dma_start3A_37, %add3A_2, %dma_start3A_41] : memref<200x64x4096xf32, #tpu.memory_space<hbm>> -> memref<1x1x4096xf32, #tpu.memory_space<hbm>>
    %dma_start3A_43 = tpu.memref_squeeze %dma_start3A_42 : memref<1x1x4096xf32, #tpu.memory_space<hbm>> -> memref<4096xf32, #tpu.memory_space<hbm>>
    tpu.enqueue_dma source(%arg9 : memref<4096xf32, #tpu.memory_space<vmem>>) target(%dma_start3A_43 : memref<4096xf32, #tpu.memory_space<hbm>>) target_semaphore(%arg15 : memref<!tpu.dma_semaphore, #tpu.memory_space<semaphore_mem>>)
    %dma_wait3A_44 = arith.constant 0 : i32
    %dma_wait3A_45 = arith.constant 0 : i32
    %dma_wait3A_46 = tpu.memref_slice %arg3[%dma_wait3A_44, %dma_wait3A_45] : memref<200x4096xi32, #tpu.memory_space<hbm>> -> memref<1x4096xi32, #tpu.memory_space<hbm>>
    %dma_wait3A_47 = tpu.memref_squeeze %dma_wait3A_46 : memref<1x4096xi32, #tpu.memory_space<hbm>> -> memref<4096xi32, #tpu.memory_space<hbm>>
    %dma_wait3A_48 = arith.constant 0 : i32
    %dma_wait3A_49 = tpu.memref_slice %arg3[%dma_wait3A_44, %dma_wait3A_48] : memref<200x4096xi32, #tpu.memory_space<hbm>> -> memref<1x4096xi32, #tpu.memory_space<hbm>>
    %dma_wait3A_50 = tpu.memref_squeeze %dma_wait3A_49 : memref<1x4096xi32, #tpu.memory_space<hbm>> -> memref<4096xi32, #tpu.memory_space<hbm>>
    tpu.wait_dma2 semaphore(%arg13 : memref<!tpu.dma_semaphore, #tpu.memory_space<semaphore_mem>>) src(%dma_wait3A_50 : memref<4096xi32, #tpu.memory_space<hbm>>) dst(%arg7 : memref<4096xi32, #tpu.memory_space<vmem>>)
    %dma_wait3A_51 = arith.constant 0 : i32
    %dma_wait3A_52 = arith.constant 0 : i32
    %dma_wait3A_53 = arith.constant 0 : i32
    %dma_wait3A_54 = tpu.memref_slice %arg4[%dma_wait3A_51, %dma_wait3A_52, %dma_wait3A_53] : memref<200x64x4096xf32, #tpu.memory_space<hbm>> -> memref<1x1x4096xf32, #tpu.memory_space<hbm>>
    %dma_wait3A_55 = tpu.memref_squeeze %dma_wait3A_54 : memref<1x1x4096xf32, #tpu.memory_space<hbm>> -> memref<4096xf32, #tpu.memory_space<hbm>>
    %dma_wait3A_56 = arith.constant 0 : i32
    %dma_wait3A_57 = tpu.memref_slice %arg4[%dma_wait3A_51, %dma_wait3A_52, %dma_wait3A_56] : memref<200x64x4096xf32, #tpu.memory_space<hbm>> -> memref<1x1x4096xf32, #tpu.memory_space<hbm>>
    %dma_wait3A_58 = tpu.memref_squeeze %dma_wait3A_57 : memref<1x1x4096xf32, #tpu.memory_space<hbm>> -> memref<4096xf32, #tpu.memory_space<hbm>>
    tpu.wait_dma2 semaphore(%arg16 : memref<!tpu.dma_semaphore, #tpu.memory_space<semaphore_mem>>) src(%arg10 : memref<4096xf32, #tpu.memory_space<vmem>>) dst(%dma_wait3A_58 : memref<4096xf32, #tpu.memory_space<hbm>>)
    %parallel_loop3A_59 = arith.constant 0 : i32
    %parallel_loop3A_60 = arith.constant 4096 : i32
    %parallel_loop3A_61 = arith.constant 16 : i32
    scf.for %parallel_loop3A_189 = %parallel_loop3A_59 to %parallel_loop3A_60 step %parallel_loop3A_61  : i32 {
      %parallel_loop3A_190 = arith.index_cast %parallel_loop3A_189 : i32 to index
      %parallel_loop3A_191 = tpu.vector_load %arg7[%parallel_loop3A_190] {strides = array<i32>} : memref<4096xi32, #tpu.memory_space<vmem>>, vector<16xi32>,
      %parallel_loop3A_192 = tpu.vector_load_idx %arg5[%parallel_loop3A_191] : memref<100000xf32, #tpu.memory_space<vmem>>[vector<16xi32>], vector<16xf32>,
      %parallel_loop3A_193 = arith.index_cast %parallel_loop3A_189 : i32 to index
      %parallel_loop3A_194 = tpu.vector_load %arg10[%parallel_loop3A_193] {strides = array<i32>} : memref<4096xf32, #tpu.memory_space<vmem>>, vector<16xf32>,
      tpu.vector_store %arg10[%parallel_loop3A_193], %parallel_loop3A_192 {strides = array<i32>} : memref<4096xf32, #tpu.memory_space<vmem>>, vector<16xf32>,
    } {sc.loop_unroll_factor = 16 : i64, sc.parallel_access}
    %dma_start3A_62 = arith.constant 199 : i32
    %dma_start3A_63 = arith.constant 0 : i32
    %dma_start3A_64 = tpu.memref_slice %arg4[%dma_start3A_62, %add3A_2, %dma_start3A_63] : memref<200x64x4096xf32, #tpu.memory_space<hbm>> -> memref<1x1x4096xf32, #tpu.memory_space<hbm>>
    %dma_start3A_65 = tpu.memref_squeeze %dma_start3A_64 : memref<1x1x4096xf32, #tpu.memory_space<hbm>> -> memref<4096xf32, #tpu.memory_space<hbm>>
    %dma_start3A_66 = arith.constant 0 : i32
    %dma_start3A_67 = tpu.memref_slice %arg4[%dma_start3A_62, %add3A_2, %dma_start3A_66] : memref<200x64x4096xf32, #tpu.memory_space<hbm>> -> memref<1x1x4096xf32, #tpu.memory_space<hbm>>
    %dma_start3A_68 = tpu.memref_squeeze %dma_start3A_67 : memref<1x1x4096xf32, #tpu.memory_space<hbm>> -> memref<4096xf32, #tpu.memory_space<hbm>>
    tpu.enqueue_dma source(%arg10 : memref<4096xf32, #tpu.memory_space<vmem>>) target(%dma_start3A_68 : memref<4096xf32, #tpu.memory_space<hbm>>) target_semaphore(%arg16 : memref<!tpu.dma_semaphore, #tpu.memory_space<semaphore_mem>>)
    %dma_wait3A_69 = arith.constant 0 : i32
    %dma_wait3A_70 = arith.constant 0 : i32
    %dma_wait3A_71 = arith.constant 0 : i32
    %dma_wait3A_72 = tpu.memref_slice %arg4[%dma_wait3A_69, %dma_wait3A_70, %dma_wait3A_71] : memref<200x64x4096xf32, #tpu.memory_space<hbm>> -> memref<1x1x4096xf32, #tpu.memory_space<hbm>>
    %dma_wait3A_73 = tpu.memref_squeeze %dma_wait3A_72 : memref<1x1x4096xf32, #tpu.memory_space<hbm>> -> memref<4096xf32, #tpu.memory_space<hbm>>
    %dma_wait3A_74 = arith.constant 0 : i32
    %dma_wait3A_75 = tpu.memref_slice %arg4[%dma_wait3A_69, %dma_wait3A_70, %dma_wait3A_74] : memref<200x64x4096xf32, #tpu.memory_space<hbm>> -> memref<1x1x4096xf32, #tpu.memory_space<hbm>>
    %dma_wait3A_76 = tpu.memref_squeeze %dma_wait3A_75 : memref<1x1x4096xf32, #tpu.memory_space<hbm>> -> memref<4096xf32, #tpu.memory_space<hbm>>
    tpu.wait_dma2 semaphore(%arg17 : memref<!tpu.dma_semaphore, #tpu.memory_space<semaphore_mem>>) src(%arg11 : memref<4096xf32, #tpu.memory_space<vmem>>) dst(%dma_wait3A_76 : memref<4096xf32, #tpu.memory_space<hbm>>)
    %dma_wait3A_77 = arith.constant 0 : i32
    %dma_wait3A_78 = arith.constant 0 : i32
    %dma_wait3A_79 = arith.constant 0 : i32
    %dma_wait3A_80 = tpu.memref_slice %arg4[%dma_wait3A_77, %dma_wait3A_78, %dma_wait3A_79] : memref<200x64x4096xf32, #tpu.memory_space<hbm>> -> memref<1x1x4096xf32, #tpu.memory_space<hbm>>
    %dma_wait3A_81 = tpu.memref_squeeze %dma_wait3A_80 : memref<1x1x4096xf32, #tpu.memory_space<hbm>> -> memref<4096xf32, #tpu.memory_space<hbm>>
    %dma_wait3A_82 = arith.constant 0 : i32
    %dma_wait3A_83 = tpu.memref_slice %arg4[%dma_wait3A_77, %dma_wait3A_78, %dma_wait3A_82] : memref<200x64x4096xf32, #tpu.memory_space<hbm>> -> memref<1x1x4096xf32, #tpu.memory_space<hbm>>
    %dma_wait3A_84 = tpu.memref_squeeze %dma_wait3A_83 : memref<1x1x4096xf32, #tpu.memory_space<hbm>> -> memref<4096xf32, #tpu.memory_space<hbm>>
    tpu.wait_dma2 semaphore(%arg15 : memref<!tpu.dma_semaphore, #tpu.memory_space<semaphore_mem>>) src(%arg9 : memref<4096xf32, #tpu.memory_space<vmem>>) dst(%dma_wait3A_84 : memref<4096xf32, #tpu.memory_space<hbm>>)
    %dma_wait3A_85 = arith.constant 0 : i32
    %dma_wait3A_86 = arith.constant 0 : i32
    %dma_wait3A_87 = arith.constant 0 : i32
    %dma_wait3A_88 = tpu.memref_slice %arg4[%dma_wait3A_85, %dma_wait3A_86, %dma_wait3A_87] : memref<200x64x4096xf32, #tpu.memory_space<hbm>> -> memref<1x1x4096xf32, #tpu.memory_space<hbm>>
    %dma_wait3A_89 = tpu.memref_squeeze %dma_wait3A_88 : memref<1x1x4096xf32, #tpu.memory_space<hbm>> -> memref<4096xf32, #tpu.memory_space<hbm>>
    %dma_wait3A_90 = arith.constant 0 : i32
    %dma_wait3A_91 = tpu.memref_slice %arg4[%dma_wait3A_85, %dma_wait3A_86, %dma_wait3A_90] : memref<200x64x4096xf32, #tpu.memory_space<hbm>> -> memref<1x1x4096xf32, #tpu.memory_space<hbm>>
    %dma_wait3A_92 = tpu.memref_squeeze %dma_wait3A_91 : memref<1x1x4096xf32, #tpu.memory_space<hbm>> -> memref<4096xf32, #tpu.memory_space<hbm>>
    tpu.wait_dma2 semaphore(%arg16 : memref<!tpu.dma_semaphore, #tpu.memory_space<semaphore_mem>>) src(%arg10 : memref<4096xf32, #tpu.memory_space<vmem>>) dst(%dma_wait3A_92 : memref<4096xf32, #tpu.memory_space<hbm>>)
    %add3A_93 = arith.constant 32 : i32
    %add3A_94 = arith.addi %add3A, %add3A_93 : i32
    "tpu.region"() ({
      %run_scoped3A = tpu.sem_alloc : memref<!tpu.dma_semaphore, #tpu.memory_space<semaphore_mem>>
      %dma_start3A_189 = arith.constant 0 : i32
      %dma_start3A_190 = tpu.memref_slice %arg2[%add3A_94, %dma_start3A_189] : memref<64x100000xf32, #tpu.memory_space<hbm>> -> memref<1x100000xf32, #tpu.memory_space<hbm>>
      %dma_start3A_191 = tpu.memref_squeeze %dma_start3A_190 : memref<1x100000xf32, #tpu.memory_space<hbm>> -> memref<100000xf32, #tpu.memory_space<hbm>>
      %dma_start3A_192 = arith.constant 0 : i32
      %dma_start3A_193 = tpu.memref_slice %arg2[%add3A_94, %dma_start3A_192] : memref<64x100000xf32, #tpu.memory_space<hbm>> -> memref<1x100000xf32, #tpu.memory_space<hbm>>
      %dma_start3A_194 = tpu.memref_squeeze %dma_start3A_193 : memref<1x100000xf32, #tpu.memory_space<hbm>> -> memref<100000xf32, #tpu.memory_space<hbm>>
      tpu.enqueue_dma source(%dma_start3A_194 : memref<100000xf32, #tpu.memory_space<hbm>>) target(%arg5 : memref<100000xf32, #tpu.memory_space<vmem>>) target_semaphore(%run_scoped3A : memref<!tpu.dma_semaphore, #tpu.memory_space<semaphore_mem>>)
      %dma_wait3A_195 = arith.constant 0 : i32
      %dma_wait3A_196 = tpu.memref_slice %arg2[%add3A_94, %dma_wait3A_195] : memref<64x100000xf32, #tpu.memory_space<hbm>> -> memref<1x100000xf32, #tpu.memory_space<hbm>>
      %dma_wait3A_197 = tpu.memref_squeeze %dma_wait3A_196 : memref<1x100000xf32, #tpu.memory_space<hbm>> -> memref<100000xf32, #tpu.memory_space<hbm>>
      %dma_wait3A_198 = arith.constant 0 : i32
      %dma_wait3A_199 = tpu.memref_slice %arg2[%add3A_94, %dma_wait3A_198] : memref<64x100000xf32, #tpu.memory_space<hbm>> -> memref<1x100000xf32, #tpu.memory_space<hbm>>
      %dma_wait3A_200 = tpu.memref_squeeze %dma_wait3A_199 : memref<1x100000xf32, #tpu.memory_space<hbm>> -> memref<100000xf32, #tpu.memory_space<hbm>>
      tpu.wait_dma2 semaphore(%run_scoped3A : memref<!tpu.dma_semaphore, #tpu.memory_space<semaphore_mem>>) src(%dma_wait3A_200 : memref<100000xf32, #tpu.memory_space<hbm>>) dst(%arg5 : memref<100000xf32, #tpu.memory_space<vmem>>)
      tpu.yield
    }) : () -> ()
    %dma_start3A_95 = arith.constant 0 : i32
    %dma_start3A_96 = arith.constant 0 : i32
    %dma_start3A_97 = tpu.memref_slice %arg3[%dma_start3A_95, %dma_start3A_96] : memref<200x4096xi32, #tpu.memory_space<hbm>> -> memref<1x4096xi32, #tpu.memory_space<hbm>>
    %dma_start3A_98 = tpu.memref_squeeze %dma_start3A_97 : memref<1x4096xi32, #tpu.memory_space<hbm>> -> memref<4096xi32, #tpu.memory_space<hbm>>
    %dma_start3A_99 = arith.constant 0 : i32
    %dma_start3A_100 = tpu.memref_slice %arg3[%dma_start3A_95, %dma_start3A_99] : memref<200x4096xi32, #tpu.memory_space<hbm>> -> memref<1x4096xi32, #tpu.memory_space<hbm>>
    %dma_start3A_101 = tpu.memref_squeeze %dma_start3A_100 : memref<1x4096xi32, #tpu.memory_space<hbm>> -> memref<4096xi32, #tpu.memory_space<hbm>>
    tpu.enqueue_dma source(%dma_start3A_101 : memref<4096xi32, #tpu.memory_space<hbm>>) target(%arg6 : memref<4096xi32, #tpu.memory_space<vmem>>) target_semaphore(%arg12 : memref<!tpu.dma_semaphore, #tpu.memory_space<semaphore_mem>>)
    %dma_start3A_102 = arith.constant 1 : i32
    %dma_start3A_103 = arith.constant 0 : i32
    %dma_start3A_104 = tpu.memref_slice %arg3[%dma_start3A_102, %dma_start3A_103] : memref<200x4096xi32, #tpu.memory_space<hbm>> -> memref<1x4096xi32, #tpu.memory_space<hbm>>
    %dma_start3A_105 = tpu.memref_squeeze %dma_start3A_104 : memref<1x4096xi32, #tpu.memory_space<hbm>> -> memref<4096xi32, #tpu.memory_space<hbm>>
    %dma_start3A_106 = arith.constant 0 : i32
    %dma_start3A_107 = tpu.memref_slice %arg3[%dma_start3A_102, %dma_start3A_106] : memref<200x4096xi32, #tpu.memory_space<hbm>> -> memref<1x4096xi32, #tpu.memory_space<hbm>>
    %dma_start3A_108 = tpu.memref_squeeze %dma_start3A_107 : memref<1x4096xi32, #tpu.memory_space<hbm>> -> memref<4096xi32, #tpu.memory_space<hbm>>
    tpu.enqueue_dma source(%dma_start3A_108 : memref<4096xi32, #tpu.memory_space<hbm>>) target(%arg7 : memref<4096xi32, #tpu.memory_space<vmem>>) target_semaphore(%arg13 : memref<!tpu.dma_semaphore, #tpu.memory_space<semaphore_mem>>)
    %scan3A_109 = arith.constant 0 : i32
    %scan3A_110 = arith.constant 0 : i32
    %scan3A_111 = arith.constant 66 : i32
    %scan3A_112 = arith.addi %scan3A_110, %scan3A_111 : i32
    %scan3A_113 = arith.constant 1 : i32
    scf.for %scan3A_189 = %scan3A_110 to %scan3A_112 step %scan3A_113  : i32 {
      %mul3A_190 = arith.constant 3 : i32
      %mul3A_191 = arith.muli %scan3A_189, %mul3A_190 : i32
      %add3A_192 = arith.constant 2 : i32
      %add3A_193 = arith.addi %mul3A_191, %add3A_192 : i32
      %dma_start3A_194 = arith.constant 0 : i32
      %dma_start3A_195 = tpu.memref_slice %arg3[%add3A_193, %dma_start3A_194] : memref<200x4096xi32, #tpu.memory_space<hbm>> -> memref<1x4096xi32, #tpu.memory_space<hbm>>
      %dma_start3A_196 = tpu.memref_squeeze %dma_start3A_195 : memref<1x4096xi32, #tpu.memory_space<hbm>> -> memref<4096xi32, #tpu.memory_space<hbm>>
      %dma_start3A_197 = arith.constant 0 : i32
      %dma_start3A_198 = tpu.memref_slice %arg3[%add3A_193, %dma_start3A_197] : memref<200x4096xi32, #tpu.memory_space<hbm>> -> memref<1x4096xi32, #tpu.memory_space<hbm>>
      %dma_start3A_199 = tpu.memref_squeeze %dma_start3A_198 : memref<1x4096xi32, #tpu.memory_space<hbm>> -> memref<4096xi32, #tpu.memory_space<hbm>>
      tpu.enqueue_dma source(%dma_start3A_199 : memref<4096xi32, #tpu.memory_space<hbm>>) target(%arg8 : memref<4096xi32, #tpu.memory_space<vmem>>) target_semaphore(%arg14 : memref<!tpu.dma_semaphore, #tpu.memory_space<semaphore_mem>>)
      %dma_wait3A_200 = arith.constant 0 : i32
      %dma_wait3A_201 = arith.constant 0 : i32
      %dma_wait3A_202 = tpu.memref_slice %arg3[%dma_wait3A_200, %dma_wait3A_201] : memref<200x4096xi32, #tpu.memory_space<hbm>> -> memref<1x4096xi32, #tpu.memory_space<hbm>>
      %dma_wait3A_203 = tpu.memref_squeeze %dma_wait3A_202 : memref<1x4096xi32, #tpu.memory_space<hbm>> -> memref<4096xi32, #tpu.memory_space<hbm>>
      %dma_wait3A_204 = arith.constant 0 : i32
      %dma_wait3A_205 = tpu.memref_slice %arg3[%dma_wait3A_200, %dma_wait3A_204] : memref<200x4096xi32, #tpu.memory_space<hbm>> -> memref<1x4096xi32, #tpu.memory_space<hbm>>
      %dma_wait3A_206 = tpu.memref_squeeze %dma_wait3A_205 : memref<1x4096xi32, #tpu.memory_space<hbm>> -> memref<4096xi32, #tpu.memory_space<hbm>>
      tpu.wait_dma2 semaphore(%arg12 : memref<!tpu.dma_semaphore, #tpu.memory_space<semaphore_mem>>) src(%dma_wait3A_206 : memref<4096xi32, #tpu.memory_space<hbm>>) dst(%arg6 : memref<4096xi32, #tpu.memory_space<vmem>>)
      %ge3A = arith.constant 3 : i32
      %ge3A_207 = arith.cmpi sge, %mul3A_191, %ge3A : i32
      %convert_element_type3A = arith.extui %ge3A_207 : i1 to i32
      %cond3A = arith.constant 0 : i32
      %cond3A_208 = arith.cmpi ne, %convert_element_type3A, %cond3A : i32
      scf.if %cond3A_208 {
        %dma_wait3A_280 = arith.constant 0 : i32
        %dma_wait3A_281 = arith.constant 0 : i32
        %dma_wait3A_282 = arith.constant 0 : i32
        %dma_wait3A_283 = tpu.memref_slice %arg4[%dma_wait3A_280, %dma_wait3A_281, %dma_wait3A_282] : memref<200x64x4096xf32, #tpu.memory_space<hbm>> -> memref<1x1x4096xf32, #tpu.memory_space<hbm>>
        %dma_wait3A_284 = tpu.memref_squeeze %dma_wait3A_283 : memref<1x1x4096xf32, #tpu.memory_space<hbm>> -> memref<4096xf32, #tpu.memory_space<hbm>>
        %dma_wait3A_285 = arith.constant 0 : i32
        %dma_wait3A_286 = tpu.memref_slice %arg4[%dma_wait3A_280, %dma_wait3A_281, %dma_wait3A_285] : memref<200x64x4096xf32, #tpu.memory_space<hbm>> -> memref<1x1x4096xf32, #tpu.memory_space<hbm>>
        %dma_wait3A_287 = tpu.memref_squeeze %dma_wait3A_286 : memref<1x1x4096xf32, #tpu.memory_space<hbm>> -> memref<4096xf32, #tpu.memory_space<hbm>>
        tpu.wait_dma2 semaphore(%arg15 : memref<!tpu.dma_semaphore, #tpu.memory_space<semaphore_mem>>) src(%arg9 : memref<4096xf32, #tpu.memory_space<vmem>>) dst(%dma_wait3A_287 : memref<4096xf32, #tpu.memory_space<hbm>>)
      } else {
      }
      %parallel_loop3A_209 = arith.constant 0 : i32
      %parallel_loop3A_210 = arith.constant 4096 : i32
      %parallel_loop3A_211 = arith.constant 16 : i32
      scf.for %parallel_loop3A_280 = %parallel_loop3A_209 to %parallel_loop3A_210 step %parallel_loop3A_211  : i32 {
        %parallel_loop3A_281 = arith.index_cast %parallel_loop3A_280 : i32 to index
        %parallel_loop3A_282 = tpu.vector_load %arg6[%parallel_loop3A_281] {strides = array<i32>} : memref<4096xi32, #tpu.memory_space<vmem>>, vector<16xi32>,
        %parallel_loop3A_283 = tpu.vector_load_idx %arg5[%parallel_loop3A_282] : memref<100000xf32, #tpu.memory_space<vmem>>[vector<16xi32>], vector<16xf32>,
        %parallel_loop3A_284 = arith.index_cast %parallel_loop3A_280 : i32 to index
        %parallel_loop3A_285 = tpu.vector_load %arg9[%parallel_loop3A_284] {strides = array<i32>} : memref<4096xf32, #tpu.memory_space<vmem>>, vector<16xf32>,
        tpu.vector_store %arg9[%parallel_loop3A_284], %parallel_loop3A_283 {strides = array<i32>} : memref<4096xf32, #tpu.memory_space<vmem>>, vector<16xf32>,
      } {sc.loop_unroll_factor = 16 : i64, sc.parallel_access}
      %dma_start3A_212 = arith.constant 0 : i32
      %dma_start3A_213 = tpu.memref_slice %arg4[%mul3A_191, %add3A_94, %dma_start3A_212] : memref<200x64x4096xf32, #tpu.memory_space<hbm>> -> memref<1x1x4096xf32, #tpu.memory_space<hbm>>
      %dma_start3A_214 = tpu.memref_squeeze %dma_start3A_213 : memref<1x1x4096xf32, #tpu.memory_space<hbm>> -> memref<4096xf32, #tpu.memory_space<hbm>>
      %dma_start3A_215 = arith.constant 0 : i32
      %dma_start3A_216 = tpu.memref_slice %arg4[%mul3A_191, %add3A_94, %dma_start3A_215] : memref<200x64x4096xf32, #tpu.memory_space<hbm>> -> memref<1x1x4096xf32, #tpu.memory_space<hbm>>
      %dma_start3A_217 = tpu.memref_squeeze %dma_start3A_216 : memref<1x1x4096xf32, #tpu.memory_space<hbm>> -> memref<4096xf32, #tpu.memory_space<hbm>>
      tpu.enqueue_dma source(%arg9 : memref<4096xf32, #tpu.memory_space<vmem>>) target(%dma_start3A_217 : memref<4096xf32, #tpu.memory_space<hbm>>) target_semaphore(%arg15 : memref<!tpu.dma_semaphore, #tpu.memory_space<semaphore_mem>>)
      %add3A_218 = arith.constant 1 : i32
      %add3A_219 = arith.addi %mul3A_191, %add3A_218 : i32
      %add3A_220 = arith.constant 2 : i32
      %add3A_221 = arith.addi %add3A_219, %add3A_220 : i32
      %dma_start3A_222 = arith.constant 0 : i32
      %dma_start3A_223 = tpu.memref_slice %arg3[%add3A_221, %dma_start3A_222] : memref<200x4096xi32, #tpu.memory_space<hbm>> -> memref<1x4096xi32, #tpu.memory_space<hbm>>
      %dma_start3A_224 = tpu.memref_squeeze %dma_start3A_223 : memref<1x4096xi32, #tpu.memory_space<hbm>> -> memref<4096xi32, #tpu.memory_space<hbm>>
      %dma_start3A_225 = arith.constant 0 : i32
      %dma_start3A_226 = tpu.memref_slice %arg3[%add3A_221, %dma_start3A_225] : memref<200x4096xi32, #tpu.memory_space<hbm>> -> memref<1x4096xi32, #tpu.memory_space<hbm>>
      %dma_start3A_227 = tpu.memref_squeeze %dma_start3A_226 : memref<1x4096xi32, #tpu.memory_space<hbm>> -> memref<4096xi32, #tpu.memory_space<hbm>>
      tpu.enqueue_dma source(%dma_start3A_227 : memref<4096xi32, #tpu.memory_space<hbm>>) target(%arg6 : memref<4096xi32, #tpu.memory_space<vmem>>) target_semaphore(%arg12 : memref<!tpu.dma_semaphore, #tpu.memory_space<semaphore_mem>>)
      %dma_wait3A_228 = arith.constant 0 : i32
      %dma_wait3A_229 = arith.constant 0 : i32
      %dma_wait3A_230 = tpu.memref_slice %arg3[%dma_wait3A_228, %dma_wait3A_229] : memref<200x4096xi32, #tpu.memory_space<hbm>> -> memref<1x4096xi32, #tpu.memory_space<hbm>>
      %dma_wait3A_231 = tpu.memref_squeeze %dma_wait3A_230 : memref<1x4096xi32, #tpu.memory_space<hbm>> -> memref<4096xi32, #tpu.memory_space<hbm>>
      %dma_wait3A_232 = arith.constant 0 : i32
      %dma_wait3A_233 = tpu.memref_slice %arg3[%dma_wait3A_228, %dma_wait3A_232] : memref<200x4096xi32, #tpu.memory_space<hbm>> -> memref<1x4096xi32, #tpu.memory_space<hbm>>
      %dma_wait3A_234 = tpu.memref_squeeze %dma_wait3A_233 : memref<1x4096xi32, #tpu.memory_space<hbm>> -> memref<4096xi32, #tpu.memory_space<hbm>>
      tpu.wait_dma2 semaphore(%arg13 : memref<!tpu.dma_semaphore, #tpu.memory_space<semaphore_mem>>) src(%dma_wait3A_234 : memref<4096xi32, #tpu.memory_space<hbm>>) dst(%arg7 : memref<4096xi32, #tpu.memory_space<vmem>>)
      %ge3A_235 = arith.constant 3 : i32
      %ge3A_236 = arith.cmpi sge, %add3A_219, %ge3A_235 : i32
      %convert_element_type3A_237 = arith.extui %ge3A_236 : i1 to i32
      %cond3A_238 = arith.constant 0 : i32
      %cond3A_239 = arith.cmpi ne, %convert_element_type3A_237, %cond3A_238 : i32
      scf.if %cond3A_239 {
        %dma_wait3A_280 = arith.constant 0 : i32
        %dma_wait3A_281 = arith.constant 0 : i32
        %dma_wait3A_282 = arith.constant 0 : i32
        %dma_wait3A_283 = tpu.memref_slice %arg4[%dma_wait3A_280, %dma_wait3A_281, %dma_wait3A_282] : memref<200x64x4096xf32, #tpu.memory_space<hbm>> -> memref<1x1x4096xf32, #tpu.memory_space<hbm>>
        %dma_wait3A_284 = tpu.memref_squeeze %dma_wait3A_283 : memref<1x1x4096xf32, #tpu.memory_space<hbm>> -> memref<4096xf32, #tpu.memory_space<hbm>>
        %dma_wait3A_285 = arith.constant 0 : i32
        %dma_wait3A_286 = tpu.memref_slice %arg4[%dma_wait3A_280, %dma_wait3A_281, %dma_wait3A_285] : memref<200x64x4096xf32, #tpu.memory_space<hbm>> -> memref<1x1x4096xf32, #tpu.memory_space<hbm>>
        %dma_wait3A_287 = tpu.memref_squeeze %dma_wait3A_286 : memref<1x1x4096xf32, #tpu.memory_space<hbm>> -> memref<4096xf32, #tpu.memory_space<hbm>>
        tpu.wait_dma2 semaphore(%arg16 : memref<!tpu.dma_semaphore, #tpu.memory_space<semaphore_mem>>) src(%arg10 : memref<4096xf32, #tpu.memory_space<vmem>>) dst(%dma_wait3A_287 : memref<4096xf32, #tpu.memory_space<hbm>>)
      } else {
      }
      %parallel_loop3A_240 = arith.constant 0 : i32
      %parallel_loop3A_241 = arith.constant 4096 : i32
      %parallel_loop3A_242 = arith.constant 16 : i32
      scf.for %parallel_loop3A_280 = %parallel_loop3A_240 to %parallel_loop3A_241 step %parallel_loop3A_242  : i32 {
        %parallel_loop3A_281 = arith.index_cast %parallel_loop3A_280 : i32 to index
        %parallel_loop3A_282 = tpu.vector_load %arg7[%parallel_loop3A_281] {strides = array<i32>} : memref<4096xi32, #tpu.memory_space<vmem>>, vector<16xi32>,
        %parallel_loop3A_283 = tpu.vector_load_idx %arg5[%parallel_loop3A_282] : memref<100000xf32, #tpu.memory_space<vmem>>[vector<16xi32>], vector<16xf32>,
        %parallel_loop3A_284 = arith.index_cast %parallel_loop3A_280 : i32 to index
        %parallel_loop3A_285 = tpu.vector_load %arg10[%parallel_loop3A_284] {strides = array<i32>} : memref<4096xf32, #tpu.memory_space<vmem>>, vector<16xf32>,
        tpu.vector_store %arg10[%parallel_loop3A_284], %parallel_loop3A_283 {strides = array<i32>} : memref<4096xf32, #tpu.memory_space<vmem>>, vector<16xf32>,
      } {sc.loop_unroll_factor = 16 : i64, sc.parallel_access}
      %dma_start3A_243 = arith.constant 0 : i32
      %dma_start3A_244 = tpu.memref_slice %arg4[%add3A_219, %add3A_94, %dma_start3A_243] : memref<200x64x4096xf32, #tpu.memory_space<hbm>> -> memref<1x1x4096xf32, #tpu.memory_space<hbm>>
      %dma_start3A_245 = tpu.memref_squeeze %dma_start3A_244 : memref<1x1x4096xf32, #tpu.memory_space<hbm>> -> memref<4096xf32, #tpu.memory_space<hbm>>
      %dma_start3A_246 = arith.constant 0 : i32
      %dma_start3A_247 = tpu.memref_slice %arg4[%add3A_219, %add3A_94, %dma_start3A_246] : memref<200x64x4096xf32, #tpu.memory_space<hbm>> -> memref<1x1x4096xf32, #tpu.memory_space<hbm>>
      %dma_start3A_248 = tpu.memref_squeeze %dma_start3A_247 : memref<1x1x4096xf32, #tpu.memory_space<hbm>> -> memref<4096xf32, #tpu.memory_space<hbm>>
      tpu.enqueue_dma source(%arg10 : memref<4096xf32, #tpu.memory_space<vmem>>) target(%dma_start3A_248 : memref<4096xf32, #tpu.memory_space<hbm>>) target_semaphore(%arg16 : memref<!tpu.dma_semaphore, #tpu.memory_space<semaphore_mem>>)
      %add3A_249 = arith.constant 2 : i32
      %add3A_250 = arith.addi %mul3A_191, %add3A_249 : i32
      %add3A_251 = arith.constant 2 : i32
      %add3A_252 = arith.addi %add3A_250, %add3A_251 : i32
      %dma_start3A_253 = arith.constant 0 : i32
      %dma_start3A_254 = tpu.memref_slice %arg3[%add3A_252, %dma_start3A_253] : memref<200x4096xi32, #tpu.memory_space<hbm>> -> memref<1x4096xi32, #tpu.memory_space<hbm>>
      %dma_start3A_255 = tpu.memref_squeeze %dma_start3A_254 : memref<1x4096xi32, #tpu.memory_space<hbm>> -> memref<4096xi32, #tpu.memory_space<hbm>>
      %dma_start3A_256 = arith.constant 0 : i32
      %dma_start3A_257 = tpu.memref_slice %arg3[%add3A_252, %dma_start3A_256] : memref<200x4096xi32, #tpu.memory_space<hbm>> -> memref<1x4096xi32, #tpu.memory_space<hbm>>
      %dma_start3A_258 = tpu.memref_squeeze %dma_start3A_257 : memref<1x4096xi32, #tpu.memory_space<hbm>> -> memref<4096xi32, #tpu.memory_space<hbm>>
      tpu.enqueue_dma source(%dma_start3A_258 : memref<4096xi32, #tpu.memory_space<hbm>>) target(%arg7 : memref<4096xi32, #tpu.memory_space<vmem>>) target_semaphore(%arg13 : memref<!tpu.dma_semaphore, #tpu.memory_space<semaphore_mem>>)
      %dma_wait3A_259 = arith.constant 0 : i32
      %dma_wait3A_260 = arith.constant 0 : i32
      %dma_wait3A_261 = tpu.memref_slice %arg3[%dma_wait3A_259, %dma_wait3A_260] : memref<200x4096xi32, #tpu.memory_space<hbm>> -> memref<1x4096xi32, #tpu.memory_space<hbm>>
      %dma_wait3A_262 = tpu.memref_squeeze %dma_wait3A_261 : memref<1x4096xi32, #tpu.memory_space<hbm>> -> memref<4096xi32, #tpu.memory_space<hbm>>
      %dma_wait3A_263 = arith.constant 0 : i32
      %dma_wait3A_264 = tpu.memref_slice %arg3[%dma_wait3A_259, %dma_wait3A_263] : memref<200x4096xi32, #tpu.memory_space<hbm>> -> memref<1x4096xi32, #tpu.memory_space<hbm>>
      %dma_wait3A_265 = tpu.memref_squeeze %dma_wait3A_264 : memref<1x4096xi32, #tpu.memory_space<hbm>> -> memref<4096xi32, #tpu.memory_space<hbm>>
      tpu.wait_dma2 semaphore(%arg14 : memref<!tpu.dma_semaphore, #tpu.memory_space<semaphore_mem>>) src(%dma_wait3A_265 : memref<4096xi32, #tpu.memory_space<hbm>>) dst(%arg8 : memref<4096xi32, #tpu.memory_space<vmem>>)
      %ge3A_266 = arith.constant 3 : i32
      %ge3A_267 = arith.cmpi sge, %add3A_250, %ge3A_266 : i32
      %convert_element_type3A_268 = arith.extui %ge3A_267 : i1 to i32
      %cond3A_269 = arith.constant 0 : i32
      %cond3A_270 = arith.cmpi ne, %convert_element_type3A_268, %cond3A_269 : i32
      scf.if %cond3A_270 {
        %dma_wait3A_280 = arith.constant 0 : i32
        %dma_wait3A_281 = arith.constant 0 : i32
        %dma_wait3A_282 = arith.constant 0 : i32
        %dma_wait3A_283 = tpu.memref_slice %arg4[%dma_wait3A_280, %dma_wait3A_281, %dma_wait3A_282] : memref<200x64x4096xf32, #tpu.memory_space<hbm>> -> memref<1x1x4096xf32, #tpu.memory_space<hbm>>
        %dma_wait3A_284 = tpu.memref_squeeze %dma_wait3A_283 : memref<1x1x4096xf32, #tpu.memory_space<hbm>> -> memref<4096xf32, #tpu.memory_space<hbm>>
        %dma_wait3A_285 = arith.constant 0 : i32
        %dma_wait3A_286 = tpu.memref_slice %arg4[%dma_wait3A_280, %dma_wait3A_281, %dma_wait3A_285] : memref<200x64x4096xf32, #tpu.memory_space<hbm>> -> memref<1x1x4096xf32, #tpu.memory_space<hbm>>
        %dma_wait3A_287 = tpu.memref_squeeze %dma_wait3A_286 : memref<1x1x4096xf32, #tpu.memory_space<hbm>> -> memref<4096xf32, #tpu.memory_space<hbm>>
        tpu.wait_dma2 semaphore(%arg17 : memref<!tpu.dma_semaphore, #tpu.memory_space<semaphore_mem>>) src(%arg11 : memref<4096xf32, #tpu.memory_space<vmem>>) dst(%dma_wait3A_287 : memref<4096xf32, #tpu.memory_space<hbm>>)
      } else {
      }
      %parallel_loop3A_271 = arith.constant 0 : i32
      %parallel_loop3A_272 = arith.constant 4096 : i32
      %parallel_loop3A_273 = arith.constant 16 : i32
      scf.for %parallel_loop3A_280 = %parallel_loop3A_271 to %parallel_loop3A_272 step %parallel_loop3A_273  : i32 {
        %parallel_loop3A_281 = arith.index_cast %parallel_loop3A_280 : i32 to index
        %parallel_loop3A_282 = tpu.vector_load %arg8[%parallel_loop3A_281] {strides = array<i32>} : memref<4096xi32, #tpu.memory_space<vmem>>, vector<16xi32>,
        %parallel_loop3A_283 = tpu.vector_load_idx %arg5[%parallel_loop3A_282] : memref<100000xf32, #tpu.memory_space<vmem>>[vector<16xi32>], vector<16xf32>,
        %parallel_loop3A_284 = arith.index_cast %parallel_loop3A_280 : i32 to index
        %parallel_loop3A_285 = tpu.vector_load %arg11[%parallel_loop3A_284] {strides = array<i32>} : memref<4096xf32, #tpu.memory_space<vmem>>, vector<16xf32>,
        tpu.vector_store %arg11[%parallel_loop3A_284], %parallel_loop3A_283 {strides = array<i32>} : memref<4096xf32, #tpu.memory_space<vmem>>, vector<16xf32>,
      } {sc.loop_unroll_factor = 16 : i64, sc.parallel_access}
      %dma_start3A_274 = arith.constant 0 : i32
      %dma_start3A_275 = tpu.memref_slice %arg4[%add3A_250, %add3A_94, %dma_start3A_274] : memref<200x64x4096xf32, #tpu.memory_space<hbm>> -> memref<1x1x4096xf32, #tpu.memory_space<hbm>>
      %dma_start3A_276 = tpu.memref_squeeze %dma_start3A_275 : memref<1x1x4096xf32, #tpu.memory_space<hbm>> -> memref<4096xf32, #tpu.memory_space<hbm>>
      %dma_start3A_277 = arith.constant 0 : i32
      %dma_start3A_278 = tpu.memref_slice %arg4[%add3A_250, %add3A_94, %dma_start3A_277] : memref<200x64x4096xf32, #tpu.memory_space<hbm>> -> memref<1x1x4096xf32, #tpu.memory_space<hbm>>
      %dma_start3A_279 = tpu.memref_squeeze %dma_start3A_278 : memref<1x1x4096xf32, #tpu.memory_space<hbm>> -> memref<4096xf32, #tpu.memory_space<hbm>>
      tpu.enqueue_dma source(%arg11 : memref<4096xf32, #tpu.memory_space<vmem>>) target(%dma_start3A_279 : memref<4096xf32, #tpu.memory_space<hbm>>) target_semaphore(%arg17 : memref<!tpu.dma_semaphore, #tpu.memory_space<semaphore_mem>>)
    }
    %scan3A_114 = arith.constant 66 : i32
    %dma_wait3A_115 = arith.constant 0 : i32
    %dma_wait3A_116 = arith.constant 0 : i32
    %dma_wait3A_117 = tpu.memref_slice %arg3[%dma_wait3A_115, %dma_wait3A_116] : memref<200x4096xi32, #tpu.memory_space<hbm>> -> memref<1x4096xi32, #tpu.memory_space<hbm>>
    %dma_wait3A_118 = tpu.memref_squeeze %dma_wait3A_117 : memref<1x4096xi32, #tpu.memory_space<hbm>> -> memref<4096xi32, #tpu.memory_space<hbm>>
    %dma_wait3A_119 = arith.constant 0 : i32
    %dma_wait3A_120 = tpu.memref_slice %arg3[%dma_wait3A_115, %dma_wait3A_119] : memref<200x4096xi32, #tpu.memory_space<hbm>> -> memref<1x4096xi32, #tpu.memory_space<hbm>>
    %dma_wait3A_121 = tpu.memref_squeeze %dma_wait3A_120 : memref<1x4096xi32, #tpu.memory_space<hbm>> -> memref<4096xi32, #tpu.memory_space<hbm>>
    tpu.wait_dma2 semaphore(%arg12 : memref<!tpu.dma_semaphore, #tpu.memory_space<semaphore_mem>>) src(%dma_wait3A_121 : memref<4096xi32, #tpu.memory_space<hbm>>) dst(%arg6 : memref<4096xi32, #tpu.memory_space<vmem>>)
    %dma_wait3A_122 = arith.constant 0 : i32
    %dma_wait3A_123 = arith.constant 0 : i32
    %dma_wait3A_124 = arith.constant 0 : i32
    %dma_wait3A_125 = tpu.memref_slice %arg4[%dma_wait3A_122, %dma_wait3A_123, %dma_wait3A_124] : memref<200x64x4096xf32, #tpu.memory_space<hbm>> -> memref<1x1x4096xf32, #tpu.memory_space<hbm>>
    %dma_wait3A_126 = tpu.memref_squeeze %dma_wait3A_125 : memref<1x1x4096xf32, #tpu.memory_space<hbm>> -> memref<4096xf32, #tpu.memory_space<hbm>>
    %dma_wait3A_127 = arith.constant 0 : i32
    %dma_wait3A_128 = tpu.memref_slice %arg4[%dma_wait3A_122, %dma_wait3A_123, %dma_wait3A_127] : memref<200x64x4096xf32, #tpu.memory_space<hbm>> -> memref<1x1x4096xf32, #tpu.memory_space<hbm>>
    %dma_wait3A_129 = tpu.memref_squeeze %dma_wait3A_128 : memref<1x1x4096xf32, #tpu.memory_space<hbm>> -> memref<4096xf32, #tpu.memory_space<hbm>>
    tpu.wait_dma2 semaphore(%arg15 : memref<!tpu.dma_semaphore, #tpu.memory_space<semaphore_mem>>) src(%arg9 : memref<4096xf32, #tpu.memory_space<vmem>>) dst(%dma_wait3A_129 : memref<4096xf32, #tpu.memory_space<hbm>>)
    %parallel_loop3A_130 = arith.constant 0 : i32
    %parallel_loop3A_131 = arith.constant 4096 : i32
    %parallel_loop3A_132 = arith.constant 16 : i32
    scf.for %parallel_loop3A_189 = %parallel_loop3A_130 to %parallel_loop3A_131 step %parallel_loop3A_132  : i32 {
      %parallel_loop3A_190 = arith.index_cast %parallel_loop3A_189 : i32 to index
      %parallel_loop3A_191 = tpu.vector_load %arg6[%parallel_loop3A_190] {strides = array<i32>} : memref<4096xi32, #tpu.memory_space<vmem>>, vector<16xi32>,
      %parallel_loop3A_192 = tpu.vector_load_idx %arg5[%parallel_loop3A_191] : memref<100000xf32, #tpu.memory_space<vmem>>[vector<16xi32>], vector<16xf32>,
      %parallel_loop3A_193 = arith.index_cast %parallel_loop3A_189 : i32 to index
      %parallel_loop3A_194 = tpu.vector_load %arg9[%parallel_loop3A_193] {strides = array<i32>} : memref<4096xf32, #tpu.memory_space<vmem>>, vector<16xf32>,
      tpu.vector_store %arg9[%parallel_loop3A_193], %parallel_loop3A_192 {strides = array<i32>} : memref<4096xf32, #tpu.memory_space<vmem>>, vector<16xf32>,
    } {sc.loop_unroll_factor = 16 : i64, sc.parallel_access}
    %dma_start3A_133 = arith.constant 198 : i32
    %dma_start3A_134 = arith.constant 0 : i32
    %dma_start3A_135 = tpu.memref_slice %arg4[%dma_start3A_133, %add3A_94, %dma_start3A_134] : memref<200x64x4096xf32, #tpu.memory_space<hbm>> -> memref<1x1x4096xf32, #tpu.memory_space<hbm>>
    %dma_start3A_136 = tpu.memref_squeeze %dma_start3A_135 : memref<1x1x4096xf32, #tpu.memory_space<hbm>> -> memref<4096xf32, #tpu.memory_space<hbm>>
    %dma_start3A_137 = arith.constant 0 : i32
    %dma_start3A_138 = tpu.memref_slice %arg4[%dma_start3A_133, %add3A_94, %dma_start3A_137] : memref<200x64x4096xf32, #tpu.memory_space<hbm>> -> memref<1x1x4096xf32, #tpu.memory_space<hbm>>
    %dma_start3A_139 = tpu.memref_squeeze %dma_start3A_138 : memref<1x1x4096xf32, #tpu.memory_space<hbm>> -> memref<4096xf32, #tpu.memory_space<hbm>>
    tpu.enqueue_dma source(%arg9 : memref<4096xf32, #tpu.memory_space<vmem>>) target(%dma_start3A_139 : memref<4096xf32, #tpu.memory_space<hbm>>) target_semaphore(%arg15 : memref<!tpu.dma_semaphore, #tpu.memory_space<semaphore_mem>>)
    %dma_wait3A_140 = arith.constant 0 : i32
    %dma_wait3A_141 = arith.constant 0 : i32
    %dma_wait3A_142 = tpu.memref_slice %arg3[%dma_wait3A_140, %dma_wait3A_141] : memref<200x4096xi32, #tpu.memory_space<hbm>> -> memref<1x4096xi32, #tpu.memory_space<hbm>>
    %dma_wait3A_143 = tpu.memref_squeeze %dma_wait3A_142 : memref<1x4096xi32, #tpu.memory_space<hbm>> -> memref<4096xi32, #tpu.memory_space<hbm>>
    %dma_wait3A_144 = arith.constant 0 : i32
    %dma_wait3A_145 = tpu.memref_slice %arg3[%dma_wait3A_140, %dma_wait3A_144] : memref<200x4096xi32, #tpu.memory_space<hbm>> -> memref<1x4096xi32, #tpu.memory_space<hbm>>
    %dma_wait3A_146 = tpu.memref_squeeze %dma_wait3A_145 : memref<1x4096xi32, #tpu.memory_space<hbm>> -> memref<4096xi32, #tpu.memory_space<hbm>>
    tpu.wait_dma2 semaphore(%arg13 : memref<!tpu.dma_semaphore, #tpu.memory_space<semaphore_mem>>) src(%dma_wait3A_146 : memref<4096xi32, #tpu.memory_space<hbm>>) dst(%arg7 : memref<4096xi32, #tpu.memory_space<vmem>>)
    %dma_wait3A_147 = arith.constant 0 : i32
    %dma_wait3A_148 = arith.constant 0 : i32
    %dma_wait3A_149 = arith.constant 0 : i32
    %dma_wait3A_150 = tpu.memref_slice %arg4[%dma_wait3A_147, %dma_wait3A_148, %dma_wait3A_149] : memref<200x64x4096xf32, #tpu.memory_space<hbm>> -> memref<1x1x4096xf32, #tpu.memory_space<hbm>>
    %dma_wait3A_151 = tpu.memref_squeeze %dma_wait3A_150 : memref<1x1x4096xf32, #tpu.memory_space<hbm>> -> memref<4096xf32, #tpu.memory_space<hbm>>
    %dma_wait3A_152 = arith.constant 0 : i32
    %dma_wait3A_153 = tpu.memref_slice %arg4[%dma_wait3A_147, %dma_wait3A_148, %dma_wait3A_152] : memref<200x64x4096xf32, #tpu.memory_space<hbm>> -> memref<1x1x4096xf32, #tpu.memory_space<hbm>>
    %dma_wait3A_154 = tpu.memref_squeeze %dma_wait3A_153 : memref<1x1x4096xf32, #tpu.memory_space<hbm>> -> memref<4096xf32, #tpu.memory_space<hbm>>
    tpu.wait_dma2 semaphore(%arg16 : memref<!tpu.dma_semaphore, #tpu.memory_space<semaphore_mem>>) src(%arg10 : memref<4096xf32, #tpu.memory_space<vmem>>) dst(%dma_wait3A_154 : memref<4096xf32, #tpu.memory_space<hbm>>)
    %parallel_loop3A_155 = arith.constant 0 : i32
    %parallel_loop3A_156 = arith.constant 4096 : i32
    %parallel_loop3A_157 = arith.constant 16 : i32
    scf.for %parallel_loop3A_189 = %parallel_loop3A_155 to %parallel_loop3A_156 step %parallel_loop3A_157  : i32 {
      %parallel_loop3A_190 = arith.index_cast %parallel_loop3A_189 : i32 to index
      %parallel_loop3A_191 = tpu.vector_load %arg7[%parallel_loop3A_190] {strides = array<i32>} : memref<4096xi32, #tpu.memory_space<vmem>>, vector<16xi32>,
      %parallel_loop3A_192 = tpu.vector_load_idx %arg5[%parallel_loop3A_191] : memref<100000xf32, #tpu.memory_space<vmem>>[vector<16xi32>], vector<16xf32>,
      %parallel_loop3A_193 = arith.index_cast %parallel_loop3A_189 : i32 to index
      %parallel_loop3A_194 = tpu.vector_load %arg10[%parallel_loop3A_193] {strides = array<i32>} : memref<4096xf32, #tpu.memory_space<vmem>>, vector<16xf32>,
      tpu.vector_store %arg10[%parallel_loop3A_193], %parallel_loop3A_192 {strides = array<i32>} : memref<4096xf32, #tpu.memory_space<vmem>>, vector<16xf32>,
    } {sc.loop_unroll_factor = 16 : i64, sc.parallel_access}
    %dma_start3A_158 = arith.constant 199 : i32
    %dma_start3A_159 = arith.constant 0 : i32
    %dma_start3A_160 = tpu.memref_slice %arg4[%dma_start3A_158, %add3A_94, %dma_start3A_159] : memref<200x64x4096xf32, #tpu.memory_space<hbm>> -> memref<1x1x4096xf32, #tpu.memory_space<hbm>>
    %dma_start3A_161 = tpu.memref_squeeze %dma_start3A_160 : memref<1x1x4096xf32, #tpu.memory_space<hbm>> -> memref<4096xf32, #tpu.memory_space<hbm>>
    %dma_start3A_162 = arith.constant 0 : i32
    %dma_start3A_163 = tpu.memref_slice %arg4[%dma_start3A_158, %add3A_94, %dma_start3A_162] : memref<200x64x4096xf32, #tpu.memory_space<hbm>> -> memref<1x1x4096xf32, #tpu.memory_space<hbm>>
    %dma_start3A_164 = tpu.memref_squeeze %dma_start3A_163 : memref<1x1x4096xf32, #tpu.memory_space<hbm>> -> memref<4096xf32, #tpu.memory_space<hbm>>
    tpu.enqueue_dma source(%arg10 : memref<4096xf32, #tpu.memory_space<vmem>>) target(%dma_start3A_164 : memref<4096xf32, #tpu.memory_space<hbm>>) target_semaphore(%arg16 : memref<!tpu.dma_semaphore, #tpu.memory_space<semaphore_mem>>)
    %dma_wait3A_165 = arith.constant 0 : i32
    %dma_wait3A_166 = arith.constant 0 : i32
    %dma_wait3A_167 = arith.constant 0 : i32
    %dma_wait3A_168 = tpu.memref_slice %arg4[%dma_wait3A_165, %dma_wait3A_166, %dma_wait3A_167] : memref<200x64x4096xf32, #tpu.memory_space<hbm>> -> memref<1x1x4096xf32, #tpu.memory_space<hbm>>
    %dma_wait3A_169 = tpu.memref_squeeze %dma_wait3A_168 : memref<1x1x4096xf32, #tpu.memory_space<hbm>> -> memref<4096xf32, #tpu.memory_space<hbm>>
    %dma_wait3A_170 = arith.constant 0 : i32
    %dma_wait3A_171 = tpu.memref_slice %arg4[%dma_wait3A_165, %dma_wait3A_166, %dma_wait3A_170] : memref<200x64x4096xf32, #tpu.memory_space<hbm>> -> memref<1x1x4096xf32, #tpu.memory_space<hbm>>
    %dma_wait3A_172 = tpu.memref_squeeze %dma_wait3A_171 : memref<1x1x4096xf32, #tpu.memory_space<hbm>> -> memref<4096xf32, #tpu.memory_space<hbm>>
    tpu.wait_dma2 semaphore(%arg17 : memref<!tpu.dma_semaphore, #tpu.memory_space<semaphore_mem>>) src(%arg11 : memref<4096xf32, #tpu.memory_space<vmem>>) dst(%dma_wait3A_172 : memref<4096xf32, #tpu.memory_space<hbm>>)
    %dma_wait3A_173 = arith.constant 0 : i32
    %dma_wait3A_174 = arith.constant 0 : i32
    %dma_wait3A_175 = arith.constant 0 : i32
    %dma_wait3A_176 = tpu.memref_slice %arg4[%dma_wait3A_173, %dma_wait3A_174, %dma_wait3A_175] : memref<200x64x4096xf32, #tpu.memory_space<hbm>> -> memref<1x1x4096xf32, #tpu.memory_space<hbm>>
    %dma_wait3A_177 = tpu.memref_squeeze %dma_wait3A_176 : memref<1x1x4096xf32, #tpu.memory_space<hbm>> -> memref<4096xf32, #tpu.memory_space<hbm>>
    %dma_wait3A_178 = arith.constant 0 : i32
    %dma_wait3A_179 = tpu.memref_slice %arg4[%dma_wait3A_173, %dma_wait3A_174, %dma_wait3A_178] : memref<200x64x4096xf32, #tpu.memory_space<hbm>> -> memref<1x1x4096xf32, #tpu.memory_space<hbm>>
    %dma_wait3A_180 = tpu.memref_squeeze %dma_wait3A_179 : memref<1x1x4096xf32, #tpu.memory_space<hbm>> -> memref<4096xf32, #tpu.memory_space<hbm>>
    tpu.wait_dma2 semaphore(%arg15 : memref<!tpu.dma_semaphore, #tpu.memory_space<semaphore_mem>>) src(%arg9 : memref<4096xf32, #tpu.memory_space<vmem>>) dst(%dma_wait3A_180 : memref<4096xf32, #tpu.memory_space<hbm>>)
    %dma_wait3A_181 = arith.constant 0 : i32
    %dma_wait3A_182 = arith.constant 0 : i32
    %dma_wait3A_183 = arith.constant 0 : i32
    %dma_wait3A_184 = tpu.memref_slice %arg4[%dma_wait3A_181, %dma_wait3A_182, %dma_wait3A_183] : memref<200x64x4096xf32, #tpu.memory_space<hbm>> -> memref<1x1x4096xf32, #tpu.memory_space<hbm>>
    %dma_wait3A_185 = tpu.memref_squeeze %dma_wait3A_184 : memref<1x1x4096xf32, #tpu.memory_space<hbm>> -> memref<4096xf32, #tpu.memory_space<hbm>>
    %dma_wait3A_186 = arith.constant 0 : i32
    %dma_wait3A_187 = tpu.memref_slice %arg4[%dma_wait3A_181, %dma_wait3A_182, %dma_wait3A_186] : memref<200x64x4096xf32, #tpu.memory_space<hbm>> -> memref<1x1x4096xf32, #tpu.memory_space<hbm>>
    %dma_wait3A_188 = tpu.memref_squeeze %dma_wait3A_187 : memref<1x1x4096xf32, #tpu.memory_space<hbm>> -> memref<4096xf32, #tpu.memory_space<hbm>>
    tpu.wait_dma2 semaphore(%arg16 : memref<!tpu.dma_semaphore, #tpu.memory_space<semaphore_mem>>) src(%arg10 : memref<4096xf32, #tpu.memory_space<vmem>>) dst(%dma_wait3A_188 : memref<4096xf32, #tpu.memory_space<hbm>>)
    return
  }
}

</mosaic_0001>

<sc_bundles>
// kernel: kernel.3.cloned.1.call-start
scs
__scs_entry_jumppad:
0x0: {  	(pc) =	sbr.rel $0x88, $3  }
0x1: {  	(tag) =	ssettag $0x0;
	lr =	simm.s32 $0x1  }
0x2: {  	[smem:$0x3F9F] =	sst lr;
	_ =	strace $0xD0000000  }
0x3: {  	_ = 	snop  }
0x4: {  	_ = 	snop  }
0x5: {  	_ = 	snop  }
0x6: {  	_ = 	snop  }
0x7: {  	_ = 	snop  }
__scs_overlays_trampoline_lowered:
0x8: {  	[smem:$0x3FAE] =	sst s0  }
0x9: {  	[smem:$0x3FAF] =	sst s1  }
0xa: {  	[smem:$0x3FB0] =	sst s2  }
0xb: {  	[smem:$0x3FB1] =	sst s3  }
0xc: {  	[smem:$0x3FB2] =	sst s4  }
0xd: {  	[smem:$0x3FB3] =	sst s5  }
0xe: {  	[smem:$0x3FB4] =	sst s6  }
0xf: {  	[smem:$0x3FB5] =	sst s7  }
0x10: {  	[smem:$0x3FB6] =	sst s8  }
0x11: {  	[smem:$0x3FB7] =	sst s9;
	s0 =	simm.s32 @!p0 $0x0  }
0x12: {  	s1 =	sld [smem:$0x3F9D];
	s0 =	simm.s32 @p0 $0x1  }
0x13: {  	[smem:$0x3FB8] =	sst s0;
	s0 =	simm.s32 @!p1 $0x0  }
0x14: {  	s2 =	sld [smem:$0x3F9C];
	s0 =	simm.s32 @p1 $0x1  }
0x15: {  	[smem:$0x3FB9] =	sst s0;
	s0 =	simm.s32 @!p2 $0x0  }
0x16: {  	s3 =	sld [smem:$0x3FDB];
	s0 =	simm.s32 @p2 $0x1  }
0x17: {  	s4 =	simm.s32 $0x1BF5;
	[smem:$0x3FBB] =	sst s0  }
0x18: {  	s0 =	sld [smem:$0x3F9E];
	_ =	swait.ge [sflag:s4], $0x0  }
0x19: {  	s7 =	sld [smem:$0x3F9F]  }
0x1a: {  	s8 =	sadd.s32 $0xFFFFE003, lr  }
0x1b: {  	s9 =	sadd.s32 $0xFFFFFEF7, lr;
	s5 =	simm.s32 $0xFFFFFFFF;
	p2 =	slt.u32 s8, $0xFFFFF086  }
0x1c: {  	p1 =	slt.u32 s9, $0xF7A;
	s5 =	simm.s32 @!p2 $0x0  }
0x1d: {  	s5 =	simm.s32 @p1 $0x1;
	p0 =	seq.s32 s7, s2  }
0x1e: {  	s7 =	smul.u32 @!p0 $0xF7A, s2;
	p2 =	seq.s32 @!p0 s5, $0x0  }
0x1f: {  	s9 =	smul.u32 $0xF7A, s1;
	s8 =	simm.s32 @!p0 $0x1BF5;
	p2 =	por !p2, p0  }
0x20: {  	[sflag:s8] =	ssyncset.s32 @!p0 $0xFFFFF086;
	s6 =	sadd.s32 @!p0 s3, s7;
	s7 =	simm.s32 @!p0 $0x108  }
0x21: {  	s3 =	sadd.s32 s3, s9;
	s6 =	sadd.s32 @!p0 $0x88, s6;
	s7 =	simm.s32 @p2 $0x1082  }
0x22: {  	[simem:s7], [sflag:s8] =	dma.local @!p0 [hbm:s6], $0xF7A  }
0x23: {  	s9 =	sor.u32 $0xD0000000, s2;
	s6 =	simm.s32 $0x108;
	_ =	swait.ge @!p0 [sflag:s8], $0x0  }
0x24: {  	s3 =	sadd.s32 $0x88, s3;
	s6 =	simm.s32 @!p1 $0x1082;
	[sflag:s4] =	ssyncset.s32 $0xFFFFF086  }
0x25: {  	[simem:s6], [sflag:s4] =	dma.local [hbm:s3], $0xF7A  }
0x26: {  	[smem:$0x3F9F] =	sst s1;
	(tag) =	ssettag s2;
	_ =	strace s9  }
0x27: {  	s1 =	sld [smem:$0x3FAF]  }
0x28: {  	s2 =	sld [smem:$0x3FB0]  }
0x29: {  	s4 =	sld [smem:$0x3FB2]  }
0x2a: {  	p0 =	seq.s32 s5, $0x0;
	s5 =	sld [smem:$0x3FB3]  }
0x2b: {  	s6 =	sld [smem:$0x3FB4]  }
0x2c: {  	s7 =	sld [smem:$0x3FB5]  }
0x2d: {  	s3 =	simm.s32 $0x108;
	s8 =	sld [smem:$0x3FB6]  }
0x2e: {  	s3 =	simm.s32 @!p0 $0x1082;
	s9 =	sld [smem:$0x3FB7]  }
0x2f: {  	lr =	sadd.s32 s0, s3;
	s0 =	sld [smem:$0x3FAE]  }
0x30: {  	s3 =	sld [smem:$0x3FB1]  }
0x31: {  	[smem:$0x3FBA] =	sst s10  }
0x32: {  	s10 =	sld [smem:$0x3FB8];
	_ =	sdelay $0x3  }
0x33: {  	p0 =	seq.s32 s10, $0x1;
	s10 =	sld [smem:$0x3FBA];
	_ =	sdelay $0x3  }
0x34: {  	[smem:$0x3FBA] =	sst s10  }
0x35: {  	s10 =	sld [smem:$0x3FB9];
	_ =	sdelay $0x3  }
0x36: {  	p1 =	seq.s32 s10, $0x1;
	s10 =	sld [smem:$0x3FBA];
	_ =	sdelay $0x3  }
0x37: {  	[smem:$0x3FBA] =	sst s10  }
0x38: {  	s10 =	sld [smem:$0x3FBB]  }
0x39: {  	_ = 	snop;
	(pc) =	sbr.ind lr, $3  }
0x3a: {  	_ = 	snop  }
0x3b: {  	_ = 	snop  }
0x3c: {  	p2 =	seq.s32 s10, $0x1;
	s10 =	sld [smem:$0x3FBA]  }
0x3d: {  	_ =	shalt  }
0x3e: {  	_ =	shalt  }
0x3f: {  	_ =	shalt  }
0x40: {  	_ =	shalt  }
0x41: {  	_ =	shalt  }
0x42: {  	_ =	shalt  }
0x43: {  	_ =	shalt  }
0x44: {  	_ =	shalt  }
0x45: {  	_ =	shalt  }
0x46: {  	_ =	shalt  }
0x47: {  	_ =	shalt  }
0x48: {  	_ =	shalt  }
0x49: {  	_ =	shalt  }
0x4a: {  	_ =	shalt  }
0x4b: {  	_ =	shalt  }
0x4c: {  	_ =	shalt  }
0x4d: {  	_ =	shalt  }
0x4e: {  	_ =	shalt  }
0x4f: {  	_ =	shalt  }
0x50: {  	_ =	shalt  }
0x51: {  	_ =	shalt  }
0x52: {  	_ =	shalt  }
0x53: {  	_ =	shalt  }
0x54: {  	_ =	shalt  }
0x55: {  	_ =	shalt  }
0x56: {  	_ =	shalt  }
0x57: {  	_ =	shalt  }
0x58: {  	_ =	shalt  }
0x59: {  	_ =	shalt  }
0x5a: {  	_ =	shalt  }
0x5b: {  	_ =	shalt  }
0x5c: {  	_ =	shalt  }
0x5d: {  	_ =	shalt  }
0x5e: {  	_ =	shalt  }
0x5f: {  	_ =	shalt  }
0x60: {  	_ =	shalt  }
0x61: {  	_ =	shalt  }
0x62: {  	_ =	shalt  }
0x63: {  	_ =	shalt  }
0x64: {  	_ =	shalt  }
0x65: {  	_ =	shalt  }
0x66: {  	_ =	shalt  }
0x67: {  	_ =	shalt  }
0x68: {  	_ =	shalt  }
0x69: {  	_ =	shalt  }
0x6a: {  	_ =	shalt  }
0x6b: {  	_ =	shalt  }
0x6c: {  	_ =	shalt  }
0x6d: {  	_ =	shalt  }
0x6e: {  	_ =	shalt  }
0x6f: {  	_ =	shalt  }
0x70: {  	_ =	shalt  }
0x71: {  	_ =	shalt  }
0x72: {  	_ =	shalt  }
0x73: {  	_ =	shalt  }
0x74: {  	_ =	shalt  }
0x75: {  	_ =	shalt  }
0x76: {  	_ =	shalt  }
0x77: {  	_ =	shalt  }
0x78: {  	_ =	shalt  }
0x79: {  	_ =	shalt  }
0x7a: {  	_ =	shalt  }
0x7b: {  	_ =	shalt  }
0x7c: {  	_ =	shalt  }
0x7d: {  	_ =	shalt  }
0x7e: {  	_ =	shalt  }
0x7f: {  	_ =	shalt  }
0x80: {  	_ =	shalt  }
0x81: {  	_ =	shalt  }
0x82: {  	_ =	shalt  }
0x83: {  	_ =	shalt  }
0x84: {  	_ =	shalt  }
0x85: {  	_ =	shalt  }
0x86: {  	_ =	shalt  }
0x87: {  	_ =	shalt  }
.Lfunc_end0:
.L_simem_size_0:
called_computation_lowered:
.L_overlay_start_0:
0x88: {  	s2 =	sld [smem:$0x3FD9]  }
0x89: {  	s3 =	sld [smem:$0x3FFE];
	_ =	sdelay $0x1  }
0x8a: {  	s1 =	srdreg.scid  }
0x8b: {  	s0 =	sand.u32 $0x1, s1  }
0x8c: {  	s18 =	sshll.u32 s0, $0xA;
	s2 =	sadd.s32 s3, s2  }
0x8d: {  	s2 =	sadd.s32 s2, s18  }
0x8e: {  	[smem:$0x3FC6] =	sst s2  }
0x8f: {  	_ = 	snop  }
0x90: {  	s2 =	sld [smem:$0x3FC9]  }
0x91: {  	s19 =	sld [smem:$0x3FC8]  }
0x92: {  	s4 =	sld [smem:$0x3FD0];
	(tm) =	ssettm $0x1  }
0x93: {  	s5 =	sld [smem:$0x3FFB];
	_ =	sdelay $0x3  }
0x94: {  	_ =	strace s5  }
0x95: {  	s5 =	sld [smem:$0x3FFC];
	_ =	sdelay $0x3  }
0x96: {  	_ =	strace s5  }
0x97: {  	s5 =	sld [smem:$0x3FFD];
	_ =	sdelay $0x3  }
0x98: {  	_ =	strace s5  }
0x99: {  	_ =	strace $0x8FFFFFFF  }
0x9a: {  	s20 =	sld [smem:$0x3FDB];
	_ =	sdelay $0x1  }
0x9b: {  	s6 =	simm.s32 $_scs_section_size  }
0x9c: {  	s7 =	simm.s32 $_size__tile_overlayer_lowered;
	s8 =	simm.s32 $_tile_overlayer_lowered  }
0x9d: {  	s23 =	simm.s32 $0x1BFF;
	s22 =	sshll.u32 s8, $0x1;
	s5 =	sadd.s32 s6, s20  }
0x9e: {  	s9 =	simm.s32 $0x0;
	s21 =	sshll.u32 s7, $0x1;
	s7 =	sadd.s32 s22, s5  }
0x9f: {  	[timem:s9], [sflag:s23] =	dma.local [hbm:s7], s21  }
0xa0: {  	_ =	swait.ge [sflag:s23], s21  }
0xa1: {  	s6 =	ssub.s32 $0x0, s21;
	[sflag:s23] =	ssyncset.done $0x0  }
0xa2: {  	[sflag:s23] =	ssyncadd.s32 s6;
	_ =	sdelay $0x1  }
0xa3: {  	s24 =	simm.s32 $0x1B8B  }
0xa4: {  	_ =	swait.ge [sflag:s24], $0x1  }
0xa5: {  	[sflag:s24] =	ssyncset.done $0x0  }
0xa6: {  	s25 =	simm.s32 $0x1B8E;
	[sflag:s24] =	ssyncadd.s32 $0xFFFFFFFF  }
0xa7: {  	s26 =	simm.s32 $execute0_lowered;
	[smem:$0x3FD2] =	sst s25  }
0xa8: {  	s6 =	sshll.u32 s26, $0x1;
	_ =	strace $0x80000046;
	[dreg:$0x1] =	wrdreg $0xFFFFFFFF  }
0xa9: {  	s28 =	simm.s32 $_size_execute0_lowered;
	s5 =	sadd.s32 s5, s6;
	[dreg:$0x0] =	wrdreg $0x0  }
0xaa: {  	s6 =	sshll.u32 s28, $0x1;
	[dreg:$0x2] =	wrdreg s5  }
0xab: {  	[dreg:$0x3] =	wrdreg s6  }
0xac: {  	[dreg:$0x4] =	wrdreg $0xC0  }
0xad: {  	_ =	task [dreg:s9], $0x5FFFF  }
0xae: {  	[dreg:$0x1] =	wrdreg $0xFFFFFFFF  }
0xaf: {  	[dreg:$0x0] =	wrdreg $0x60  }
0xb0: {  	[dreg:$0x2] =	wrdreg s19  }
0xb1: {  	[dreg:$0x3] =	wrdreg s2  }
0xb2: {  	[dreg:$0x4] =	wrdreg s4  }
0xb3: {  	[dreg:$0x5] =	wrdreg $0x9  }
0xb4: {  	_ =	task.clear_ibuf [dreg:s9], $0x6FFFF;
	_ =	strace $0x90000046  }
0xb5: {  	s29 =	simm.s32 $0x9;
	_ =	strace $0x80000048  }
0xb6: {  	_ =	swait.ge [sflag:s29], $0x1  }
0xb7: {  	[sflag:s29] =	ssyncadd.s32 $0xFFFFFFFF  }
0xb8: {  	_ =	strace $0x90000048  }
0xb9: {  	_ =	sfence  }
0xba: {  	s30 =	sld [smem:$0x0];
	_ =	sdelay $0x2  }
0xbb: {  	s31 =	sshll.u32 s1, $0xD;
	s1 =	sshrl.u32 s1, $0x2  }
0xbc: {  	s3 =	sand.u32 $0x4000, s31;
	s1 =	sadd.s32 s1, s30  }
0xbd: {  	s0 =	sor.u32 s3, s0;
	s1 =	sshll.u32 s1, $0x11  }
0xbe: {  	s0 =	sor.u32 s1, s0  }
0xbf: {  	s0 =	sadd.s32 $0x8F2B, s0  }
0xc0: {  	[sflag:s0] =	ssyncadd.remote.s32 $0x1  }
0xc1: {  	_ =	sfence.sel $0xFFFF  }
0xc2: {  	[dreg:$0x0] =	wrdreg $0xFFFFFFFF;
	(pc) =	sbr.abs _section_cstart, $3  }
0xc3: {  	[dreg:$0x1] =	wrdreg $0xFFFFFFFF  }
0xc4: {  	_ =	task.clear_ibuf [dreg:s9], $0x2FFFF;
	_ =	strace $0x9FFFFFFF  }
0xc5: {  	(tm) =	ssettm $0x7FFFFFFF  }
tec
execute0_lowered:
.L_overlay_start_1:
0x0: {  	(tag) =	ssettag $0x1  }
0x1: {  	s0 =	rddreg [dreg:$0x0]  }
0x2: {  	s1 =	rddreg [dreg:$0x1]  }
0x3: {  	s2 =	rddreg [dreg:$0x2]  }
0x4: {  	s3 =	srdreg.scid;
	s4 =	stileid.u32  }
0x5: {  	s17 =	simm.s32 $0x80;
	s18 =	simm.s32 $0x400;
	s28 =	simm.s32 $0x3  }
0x6: {  	s29 =	simm.s32 $0x1D700;
	s30 =	simm.s32 $0x4;
	s31 =	simm.s32 $0x5  }
0x7: {  	s3 =	sand.u32 $0x1, s3;
	s5 =	sshrl.u32 s4, $0x2;
	s4 =	sshll.u32 s4, $0x8  }
0x8: {  	s12 =	sadd.s32 $0x630000, s2;
	s14 =	sadd.s32 $0x638000, s2;
	s6 =	sshll.u32 s3, $0x7  }
0x9: {  	s7 =	sand.u32 $0x300, s4;
	s8 =	smul.u32 $0xC3800, s5;
	s4 =	simm.s32 $0x0  }
0xa: {  	s3 =	ssub.s32 $0x2, s3;
	s20 =	sshll.u32 s5, $0xF;
	s5 =	sor.u32 $0x4, s5  }
0xb: {  	s9 =	sor.u32 s6, s7;
	[smem:$0x7FF] =	sst s4;
	s19 =	sshrl.u32 s3, $0x1  }
0xc: {  	s10 =	smul.u32 $0xC3800, s5;
	s5 =	sshll.u32 s5, $0xF;
	s6 =	sor.u32 s8, s9  }
0xd: {  	_ =	strace $0x80000047;
	s3 =	ssub.s32 s3, s19;
	s7 =	sor.u32 s20, s9  }
0xe: {  	s19 =	simm.s32 $0x7;
	s20 =	simm.s32 $0x18700;
	s6 =	sshrl.u32 s6, $0x3  }
0xf: {  	s11 =	sshrl.u32 s7, $0x3;
	s8 =	sor.u32 $0x40000, s7;
	s21 =	sor.u32 s9, s10  }
0x10: {  	s10 =	sor.u32 s5, s9;
	s26 =	smax.u32 s3, $0x1;
	s3 =	simm.s32 $0x6  }
0x11: {  	s6 =	sadd.s32 s0, s6;
	s13 =	sadd.s32 s11, s12;
	[dreg:$0xa] =	wrdreg s26  }
0x12: {  	s22 =	sadd.s32 s11, s14;
	s23 =	sshrl.u32 s21, $0x3;
	[dreg:$0x4] =	wrdreg s6  }
0x13: {  	s9 =	sshrl.u32 s10, $0x3;
	s21 =	simm.s32 $0x19700;
	[dreg:$0x5] =	wrdreg s13  }
0x14: {  	s26 =	simm.s32 $0x1C700;
	[dreg:$0x6] =	wrdreg s22;
	s0 =	sadd.s32 s0, s23  }
0x15: {  	s6 =	sadd.s32 $0x10, s1;
	s24 =	sadd.s32 s9, s12;
	[dreg:$0x7] =	wrdreg s0  }
0x16: {  	s13 =	sor.u32 $0x40000, s10;
	s25 =	sadd.s32 s9, s14;
	[dreg:$0x8] =	wrdreg s24  }
0x17: {  	s22 =	simm.s32 $0x1A700;
	s23 =	simm.s32 $0x1;
	[dreg:$0x9] =	wrdreg s25  }
0x18: {  	s24 =	simm.s32 $0x1B700;
	s25 =	simm.s32 $0x2;
	s0 =	simm.s32 $0x0  }
.LBB2_1:
0x19: {  	s5 =	rddreg [dreg:$0x4]  }
0x1a: {  	[tilespmem:s4], [sflag:$0x7] =	stream.strided.gather [hbm4b:s5+s17], $0x18700, s18, s17, $0x38;
	[tilespmem:$0x1E700] =	vst v63  }
0x1b: {  	_ =	swait.ge [sflag:s19], $0x18700  }
0x1c: {  	[sflag:s19] =	ssyncset.done $0x0  }
0x1d: {  	[sflag:s19] =	ssyncadd.s32 $0xFFFE7900  }
0x1e: {  	[tilespmem:s20], [sflag:$0x1] =	stream.strided.gather [hbm4b:s1+s17], $0x1000, s18, s17, $0x38;
	[tilespmem:$0x1E700] =	vst v63  }
0x1f: {  	s5 =	simm.s32 $0x0  }
0x20: {  	[tilespmem:s21], [sflag:$0x2] =	stream.strided.gather [hbm4b:s6+s17], $0x1000, s18, s17, $0x38;
	[tilespmem:$0x1E700] =	vst v63  }
.LBB2_2:
0x21: {  	s11 =	smul.u32 $0x3, s5;
	_ =	sdelay $0x1  }
0x22: {  	s9 =	sadd.s32 $0x2, s11  }
0x23: {  	s12 =	sshll.u32 s9, $0x4  }
0x24: {  	s14 =	sshll.u32 s9, $0x9;
	s12 =	sand.u32 $0x70, s12  }
0x25: {  	s14 =	sand.u32 $0x7F000, s14;
	s12 =	sadd.s32 s1, s12  }
0x26: {  	s12 =	sadd.s32 s14, s12  }
0x27: {  	[tilespmem:s22], [sflag:$0x3] =	stream.strided.gather [hbm4b:s12+s17], $0x1000, s18, s17, $0x38;
	[tilespmem:$0x1E700] =	vst v63  }
0x28: {  	_ =	swait.ge [sflag:s23], $0x1000  }
0x29: {  	p0 =	seq.s32 s5, $0x0;
	[sflag:s23] =	ssyncset.done $0x0  }
0x2a: {  	s12 =	simm.s32 @!p0 $0x4;
	[sflag:s23] =	ssyncadd.s32 $0xFFFFF000  }
0x2b: {  	_ =	swait.ge @!p0 [sflag:s12], $0x1000  }
0x2c: {  	[sflag:s12] =	ssyncset.done @!p0 $0x0  }
0x2d: {  	s16 =	simm.s32 $0x18780;
	[sflag:s12] =	ssyncadd.s32 @!p0 $0xFFFFF000  }
0x2e: {  	v0 =	vld [tilespmem:s16+$0x70]  }
0x2f: {  	v1 =	vld [tilespmem:s16+$0xFFFFFF90]  }
0x30: {  	v2 =	vld [tilespmem:s16+$0xFFFFFFA0]  }
0x31: {  	v3 =	vld [tilespmem:s16+$0xFFFFFFB0]  }
0x32: {  	v4 =	vld [tilespmem:s16+$0xFFFFFFC0]  }
0x33: {  	v5 =	vld [tilespmem:s16+$0xFFFFFFD0]  }
0x34: {  	v6 =	vld [tilespmem:s16+$0xFFFFFFE0]  }
0x35: {  	v7 =	vld [tilespmem:s16+$0xFFFFFFF0]  }
0x36: {  	v8 =	vld [tilespmem:s16+$0x0]  }
0x37: {  	v9 =	vld [tilespmem:s16+$0x10]  }
0x38: {  	v10 =	vld [tilespmem:s16+$0x20]  }
0x39: {  	v11 =	vld [tilespmem:s16+$0x30]  }
0x3a: {  	v12 =	vld [tilespmem:s16+$0x40]  }
0x3b: {  	v13 =	vld [tilespmem:s16+$0x50]  }
0x3c: {  	v14 =	vld [tilespmem:s16+$0x60]  }
0x3d: {  	v15 =	vld [tilespmem:s16+$0xFFFFFF80]  }
0x3e: {  	v0 =	vld.idx.msk [tilespmem:v0+s4+$0x0], $0xffff  }
0x3f: {  	v1 =	vld.idx.msk [tilespmem:v1+s4+$0x0], $0xffff  }
0x40: {  	v2 =	vld.idx.msk [tilespmem:v2+s4+$0x0], $0xffff  }
0x41: {  	v3 =	vld.idx.msk [tilespmem:v3+s4+$0x0], $0xffff  }
0x42: {  	v4 =	vld.idx.msk [tilespmem:v4+s4+$0x0], $0xffff  }
0x43: {  	s14 =	simm.s32 $0x1B780;
	v5 =	vld.idx.msk [tilespmem:v5+s4+$0x0], $0xffff  }
0x44: {  	v6 =	vld.idx.msk [tilespmem:v6+s4+$0x0], $0xffff;
	[tilespmem:s14+$0x70] =	vst v0  }
0x45: {  	v7 =	vld.idx.msk [tilespmem:v7+s4+$0x0], $0xffff;
	[tilespmem:s14+$0xFFFFFF90] =	vst v1  }
0x46: {  	v15 =	vld.idx.msk [tilespmem:v15+s4+$0x0], $0xffff;
	[tilespmem:s14+$0xFFFFFFA0] =	vst v2  }
0x47: {  	v8 =	vld.idx.msk [tilespmem:v8+s4+$0x0], $0xffff;
	[tilespmem:s14+$0xFFFFFFB0] =	vst v3  }
0x48: {  	[tilespmem:s14+$0xFFFFFFC0] =	vst v4;
	v0 =	vld.idx.msk [tilespmem:v9+s4+$0x0], $0xffff  }
0x49: {  	[tilespmem:s14+$0xFFFFFFD0] =	vst v5;
	v1 =	vld.idx.msk [tilespmem:v10+s4+$0x0], $0xffff  }
0x4a: {  	[tilespmem:s14+$0xFFFFFFE0] =	vst v6;
	v2 =	vld.idx.msk [tilespmem:v11+s4+$0x0], $0xffff  }
0x4b: {  	[tilespmem:s14+$0xFFFFFFF0] =	vst v7;
	v3 =	vld.idx.msk [tilespmem:v12+s4+$0x0], $0xffff  }
0x4c: {  	[tilespmem:s14+$0xFFFFFF80] =	vst v15;
	v4 =	vld.idx.msk [tilespmem:v13+s4+$0x0], $0xffff  }
0x4d: {  	s15 =	simm.s32 $0x18880;
	s12 =	simm.s32 $0x0;
	[tilespmem:s14+$0x0] =	vst v8;
	v5 =	vld.idx.msk [tilespmem:v14+s4+$0x0], $0xffff  }
.LBB2_3:
0x4e: {  	v6 =	vld [tilespmem:s15+$0x70];
	s12 =	sadd.s32 $0x100, s12;
	[tilespmem:s14+$0x10] =	vst v0  }
0x4f: {  	v0 =	vld [tilespmem:s15+$0xFFFFFF90];
	p1 =	slt.u32 s12, $0xF00;
	[tilespmem:s14+$0x20] =	vst v1  }
0x50: {  	v1 =	vld [tilespmem:s15+$0xFFFFFFA0];
	[tilespmem:s14+$0x30] =	vst v2  }
0x51: {  	v2 =	vld [tilespmem:s15+$0xFFFFFFB0];
	[tilespmem:s14+$0x40] =	vst v3  }
0x52: {  	v3 =	vld [tilespmem:s15+$0xFFFFFFC0];
	[tilespmem:s14+$0x50] =	vst v4  }
0x53: {  	v4 =	vld [tilespmem:s15+$0xFFFFFFD0];
	[tilespmem:s14+$0x60] =	vst v5  }
0x54: {  	v5 =	vld [tilespmem:s15+$0xFFFFFFE0]  }
0x55: {  	v7 =	vld [tilespmem:s15+$0xFFFFFFF0]  }
0x56: {  	v6 =	vld.idx.msk [tilespmem:v6+s4+$0x0], $0xffff  }
0x57: {  	v8 =	vld [tilespmem:s15+$0x0]  }
0x58: {  	v9 =	vld [tilespmem:s15+$0x10]  }
0x59: {  	v10 =	vld [tilespmem:s15+$0x20]  }
0x5a: {  	v11 =	vld [tilespmem:s15+$0x30]  }
0x5b: {  	s14 =	sadd.s32 $0x100, s14;
	v12 =	vld [tilespmem:s15+$0x40]  }
0x5c: {  	v13 =	vld [tilespmem:s15+$0x50];
	[tilespmem:s14+$0x70] =	vst v6  }
0x5d: {  	v6 =	vld [tilespmem:s15+$0x60]  }
0x5e: {  	v14 =	vld [tilespmem:s15+$0xFFFFFF80]  }
0x5f: {  	v0 =	vld.idx.msk [tilespmem:v0+s4+$0x0], $0xffff  }
0x60: {  	v1 =	vld.idx.msk [tilespmem:v1+s4+$0x0], $0xffff  }
0x61: {  	v2 =	vld.idx.msk [tilespmem:v2+s4+$0x0], $0xffff  }
0x62: {  	v3 =	vld.idx.msk [tilespmem:v3+s4+$0x0], $0xffff  }
0x63: {  	v4 =	vld.idx.msk [tilespmem:v4+s4+$0x0], $0xffff  }
0x64: {  	v5 =	vld.idx.msk [tilespmem:v5+s4+$0x0], $0xffff  }
0x65: {  	[tilespmem:s14+$0xFFFFFF90] =	vst v0;
	v7 =	vld.idx.msk [tilespmem:v7+s4+$0x0], $0xffff  }
0x66: {  	v14 =	vld.idx.msk [tilespmem:v14+s4+$0x0], $0xffff;
	[tilespmem:s14+$0xFFFFFFA0] =	vst v1  }
0x67: {  	[tilespmem:s14+$0xFFFFFFB0] =	vst v2;
	v8 =	vld.idx.msk [tilespmem:v8+s4+$0x0], $0xffff  }
0x68: {  	[tilespmem:s14+$0xFFFFFFC0] =	vst v3;
	v0 =	vld.idx.msk [tilespmem:v9+s4+$0x0], $0xffff  }
.Ltmp0:
0x69: {  	[tilespmem:s14+$0xFFFFFFD0] =	vst v4;
	v1 =	vld.idx.msk [tilespmem:v10+s4+$0x0], $0xffff;
	(pc) =	sbr.rel @p1 .LBB2_3-.Ltmp0, $4  }
0x6a: {  	[tilespmem:s14+$0xFFFFFFE0] =	vst v5;
	v2 =	vld.idx.msk [tilespmem:v11+s4+$0x0], $0xffff  }
0x6b: {  	[tilespmem:s14+$0xFFFFFFF0] =	vst v7;
	v3 =	vld.idx.msk [tilespmem:v12+s4+$0x0], $0xffff  }
0x6c: {  	[tilespmem:s14+$0xFFFFFF80] =	vst v14;
	v4 =	vld.idx.msk [tilespmem:v13+s4+$0x0], $0xffff  }
0x6d: {  	s15 =	sadd.s32 $0x100, s15;
	[tilespmem:s14+$0x0] =	vst v8;
	v5 =	vld.idx.msk [tilespmem:v6+s4+$0x0], $0xffff  }
0x6e: {  	[tilespmem:s14+$0x10] =	vst v0  }
0x6f: {  	[tilespmem:s14+$0x20] =	vst v1;
	s12 =	smul.u32 $0xC0000, s5  }
0x70: {  	[tilespmem:s14+$0x30] =	vst v2  }
0x71: {  	[tilespmem:s14+$0x40] =	vst v3;
	s15 =	sor.u32 s12, s7  }
0x72: {  	[tilespmem:s14+$0x50] =	vst v4;
	s15 =	sshrl.u32 s15, $0x3  }
0x73: {  	[tilespmem:s14+$0x60] =	vst v5;
	s16 =	sadd.s32 s2, s15;
	s15 =	sadd.s32 $0x3, s11  }
0x74: {  	[hbm4b:s16+s17] =	stream.strided.scatter [tilespmem:s24], [sflag:$0x4], $0x1000, s18, s17, $0x38;
	[tilespmem:$0x1E700] =	vst v63  }
0x75: {  	s16 =	sshll.u32 s15, $0x4  }
0x76: {  	s14 =	sshll.u32 s15, $0x9;
	s15 =	sand.u32 $0x70, s16  }
0x77: {  	s14 =	sand.u32 $0x7F000, s14;
	s15 =	sadd.s32 s1, s15  }
0x78: {  	s14 =	sadd.s32 s14, s15  }
0x79: {  	[tilespmem:s20], [sflag:$0x1] =	stream.strided.gather [hbm4b:s14+s17], $0x1000, s18, s17, $0x38;
	[tilespmem:$0x1E700] =	vst v63  }
0x7a: {  	_ =	swait.ge [sflag:s25], $0x1000  }
0x7b: {  	[sflag:s25] =	ssyncset.done $0x0  }
0x7c: {  	s14 =	simm.s32 @!p0 $0x5;
	[sflag:s25] =	ssyncadd.s32 $0xFFFFF000  }
0x7d: {  	_ =	swait.ge @!p0 [sflag:s14], $0x1000  }
0x7e: {  	[sflag:s14] =	ssyncset.done @!p0 $0x0  }
0x7f: {  	s16 =	simm.s32 $0x19780;
	[sflag:s14] =	ssyncadd.s32 @!p0 $0xFFFFF000  }
0x80: {  	v0 =	vld [tilespmem:s16+$0x70]  }
0x81: {  	v1 =	vld [tilespmem:s16+$0xFFFFFF90]  }
0x82: {  	v2 =	vld [tilespmem:s16+$0xFFFFFFA0]  }
0x83: {  	v3 =	vld [tilespmem:s16+$0xFFFFFFB0]  }
0x84: {  	v4 =	vld [tilespmem:s16+$0xFFFFFFC0]  }
0x85: {  	v5 =	vld [tilespmem:s16+$0xFFFFFFD0]  }
0x86: {  	v6 =	vld [tilespmem:s16+$0xFFFFFFE0]  }
0x87: {  	v7 =	vld [tilespmem:s16+$0xFFFFFFF0]  }
0x88: {  	v8 =	vld [tilespmem:s16+$0x0]  }
0x89: {  	v9 =	vld [tilespmem:s16+$0x10]  }
0x8a: {  	v10 =	vld [tilespmem:s16+$0x20]  }
0x8b: {  	v11 =	vld [tilespmem:s16+$0x30]  }
0x8c: {  	v12 =	vld [tilespmem:s16+$0x40]  }
0x8d: {  	v13 =	vld [tilespmem:s16+$0x50]  }
0x8e: {  	v14 =	vld [tilespmem:s16+$0x60]  }
0x8f: {  	v15 =	vld [tilespmem:s16+$0xFFFFFF80]  }
0x90: {  	v0 =	vld.idx.msk [tilespmem:v0+s4+$0x0], $0xffff  }
0x91: {  	v1 =	vld.idx.msk [tilespmem:v1+s4+$0x0], $0xffff  }
0x92: {  	v2 =	vld.idx.msk [tilespmem:v2+s4+$0x0], $0xffff  }
0x93: {  	v3 =	vld.idx.msk [tilespmem:v3+s4+$0x0], $0xffff  }
0x94: {  	v4 =	vld.idx.msk [tilespmem:v4+s4+$0x0], $0xffff  }
0x95: {  	s14 =	simm.s32 $0x1C780;
	v5 =	vld.idx.msk [tilespmem:v5+s4+$0x0], $0xffff  }
0x96: {  	v6 =	vld.idx.msk [tilespmem:v6+s4+$0x0], $0xffff;
	[tilespmem:s14+$0x70] =	vst v0  }
0x97: {  	v7 =	vld.idx.msk [tilespmem:v7+s4+$0x0], $0xffff;
	[tilespmem:s14+$0xFFFFFF90] =	vst v1  }
0x98: {  	v15 =	vld.idx.msk [tilespmem:v15+s4+$0x0], $0xffff;
	[tilespmem:s14+$0xFFFFFFA0] =	vst v2  }
0x99: {  	v8 =	vld.idx.msk [tilespmem:v8+s4+$0x0], $0xffff;
	[tilespmem:s14+$0xFFFFFFB0] =	vst v3  }
0x9a: {  	[tilespmem:s14+$0xFFFFFFC0] =	vst v4;
	v0 =	vld.idx.msk [tilespmem:v9+s4+$0x0], $0xffff  }
0x9b: {  	[tilespmem:s14+$0xFFFFFFD0] =	vst v5;
	v1 =	vld.idx.msk [tilespmem:v10+s4+$0x0], $0xffff  }
0x9c: {  	[tilespmem:s14+$0xFFFFFFE0] =	vst v6;
	v2 =	vld.idx.msk [tilespmem:v11+s4+$0x0], $0xffff  }
0x9d: {  	[tilespmem:s14+$0xFFFFFFF0] =	vst v7;
	v3 =	vld.idx.msk [tilespmem:v12+s4+$0x0], $0xffff  }
0x9e: {  	[tilespmem:s14+$0xFFFFFF80] =	vst v15;
	v4 =	vld.idx.msk [tilespmem:v13+s4+$0x0], $0xffff  }
0x9f: {  	s15 =	simm.s32 $0x0;
	s16 =	simm.s32 $0x19880;
	[tilespmem:s14+$0x0] =	vst v8;
	v5 =	vld.idx.msk [tilespmem:v14+s4+$0x0], $0xffff  }
.LBB2_5:
0xa0: {  	v6 =	vld [tilespmem:s16+$0x70];
	s15 =	sadd.s32 $0x100, s15;
	[tilespmem:s14+$0x10] =	vst v0  }
0xa1: {  	v0 =	vld [tilespmem:s16+$0xFFFFFF90];
	p1 =	slt.u32 s15, $0xF00;
	[tilespmem:s14+$0x20] =	vst v1  }
0xa2: {  	v1 =	vld [tilespmem:s16+$0xFFFFFFA0];
	[tilespmem:s14+$0x30] =	vst v2  }
0xa3: {  	v2 =	vld [tilespmem:s16+$0xFFFFFFB0];
	[tilespmem:s14+$0x40] =	vst v3  }
0xa4: {  	v3 =	vld [tilespmem:s16+$0xFFFFFFC0];
	[tilespmem:s14+$0x50] =	vst v4  }
0xa5: {  	v4 =	vld [tilespmem:s16+$0xFFFFFFD0];
	[tilespmem:s14+$0x60] =	vst v5  }
0xa6: {  	v5 =	vld [tilespmem:s16+$0xFFFFFFE0]  }
0xa7: {  	v7 =	vld [tilespmem:s16+$0xFFFFFFF0]  }
0xa8: {  	v6 =	vld.idx.msk [tilespmem:v6+s4+$0x0], $0xffff  }
0xa9: {  	v8 =	vld [tilespmem:s16+$0x0]  }
0xaa: {  	v9 =	vld [tilespmem:s16+$0x10]  }
0xab: {  	v10 =	vld [tilespmem:s16+$0x20]  }
0xac: {  	v11 =	vld [tilespmem:s16+$0x30]  }
0xad: {  	s14 =	sadd.s32 $0x100, s14;
	v12 =	vld [tilespmem:s16+$0x40]  }
0xae: {  	v13 =	vld [tilespmem:s16+$0x50];
	[tilespmem:s14+$0x70] =	vst v6  }
0xaf: {  	v6 =	vld [tilespmem:s16+$0x60]  }
0xb0: {  	v14 =	vld [tilespmem:s16+$0xFFFFFF80]  }
0xb1: {  	v0 =	vld.idx.msk [tilespmem:v0+s4+$0x0], $0xffff  }
0xb2: {  	v1 =	vld.idx.msk [tilespmem:v1+s4+$0x0], $0xffff  }
0xb3: {  	v2 =	vld.idx.msk [tilespmem:v2+s4+$0x0], $0xffff  }
0xb4: {  	v3 =	vld.idx.msk [tilespmem:v3+s4+$0x0], $0xffff  }
0xb5: {  	v4 =	vld.idx.msk [tilespmem:v4+s4+$0x0], $0xffff  }
0xb6: {  	v5 =	vld.idx.msk [tilespmem:v5+s4+$0x0], $0xffff  }
0xb7: {  	[tilespmem:s14+$0xFFFFFF90] =	vst v0;
	v7 =	vld.idx.msk [tilespmem:v7+s4+$0x0], $0xffff  }
0xb8: {  	v14 =	vld.idx.msk [tilespmem:v14+s4+$0x0], $0xffff;
	[tilespmem:s14+$0xFFFFFFA0] =	vst v1  }
0xb9: {  	[tilespmem:s14+$0xFFFFFFB0] =	vst v2;
	v8 =	vld.idx.msk [tilespmem:v8+s4+$0x0], $0xffff  }
0xba: {  	[tilespmem:s14+$0xFFFFFFC0] =	vst v3;
	v0 =	vld.idx.msk [tilespmem:v9+s4+$0x0], $0xffff  }
.Ltmp1:
0xbb: {  	[tilespmem:s14+$0xFFFFFFD0] =	vst v4;
	v1 =	vld.idx.msk [tilespmem:v10+s4+$0x0], $0xffff;
	(pc) =	sbr.rel @p1 .LBB2_5-.Ltmp1, $4  }
0xbc: {  	[tilespmem:s14+$0xFFFFFFE0] =	vst v5;
	v2 =	vld.idx.msk [tilespmem:v11+s4+$0x0], $0xffff  }
0xbd: {  	[tilespmem:s14+$0xFFFFFFF0] =	vst v7;
	v3 =	vld.idx.msk [tilespmem:v12+s4+$0x0], $0xffff  }
0xbe: {  	[tilespmem:s14+$0xFFFFFF80] =	vst v14;
	v4 =	vld.idx.msk [tilespmem:v13+s4+$0x0], $0xffff  }
0xbf: {  	s16 =	sadd.s32 $0x100, s16;
	[tilespmem:s14+$0x0] =	vst v8;
	v5 =	vld.idx.msk [tilespmem:v6+s4+$0x0], $0xffff  }
0xc0: {  	[tilespmem:s14+$0x10] =	vst v0  }
0xc1: {  	[tilespmem:s14+$0x20] =	vst v1  }
0xc2: {  	[tilespmem:s14+$0x30] =	vst v2  }
0xc3: {  	s12 =	sadd.s32 s8, s12;
	[tilespmem:s14+$0x40] =	vst v3  }
0xc4: {  	s11 =	sadd.s32 $0x4, s11;
	s12 =	sshrl.u32 s12, $0x3;
	[tilespmem:s14+$0x50] =	vst v4  }
0xc5: {  	s15 =	sshll.u32 s11, $0x4;
	s12 =	sadd.s32 s2, s12;
	[tilespmem:s14+$0x60] =	vst v5  }
0xc6: {  	[hbm4b:s12+s17] =	stream.strided.scatter [tilespmem:s26], [sflag:$0x5], $0x1000, s18, s17, $0x38;
	[tilespmem:$0x1E700] =	vst v63  }
0xc7: {  	s11 =	sshll.u32 s11, $0x9;
	s12 =	sand.u32 $0x70, s15  }
0xc8: {  	s11 =	sand.u32 $0x7F000, s11;
	s12 =	sadd.s32 s1, s12  }
0xc9: {  	s11 =	sadd.s32 s11, s12  }
0xca: {  	[tilespmem:s21], [sflag:$0x2] =	stream.strided.gather [hbm4b:s11+s17], $0x1000, s18, s17, $0x38;
	[tilespmem:$0x1E700] =	vst v63  }
0xcb: {  	_ =	swait.ge [sflag:s28], $0x1000  }
0xcc: {  	[sflag:s28] =	ssyncset.done $0x0  }
0xcd: {  	s11 =	simm.s32 @!p0 $0x6;
	[sflag:s28] =	ssyncadd.s32 $0xFFFFF000  }
0xce: {  	_ =	swait.ge @!p0 [sflag:s11], $0x1000  }
0xcf: {  	[sflag:s11] =	ssyncset.done @!p0 $0x0  }
0xd0: {  	s16 =	simm.s32 $0x1A780;
	[sflag:s11] =	ssyncadd.s32 @!p0 $0xFFFFF000  }
0xd1: {  	v0 =	vld [tilespmem:s16+$0x70]  }
0xd2: {  	v1 =	vld [tilespmem:s16+$0xFFFFFF90]  }
0xd3: {  	v2 =	vld [tilespmem:s16+$0xFFFFFFA0]  }
0xd4: {  	v3 =	vld [tilespmem:s16+$0xFFFFFFB0]  }
0xd5: {  	v4 =	vld [tilespmem:s16+$0xFFFFFFC0]  }
0xd6: {  	v5 =	vld [tilespmem:s16+$0xFFFFFFD0]  }
0xd7: {  	v6 =	vld [tilespmem:s16+$0xFFFFFFE0]  }
0xd8: {  	v7 =	vld [tilespmem:s16+$0xFFFFFFF0]  }
0xd9: {  	v8 =	vld [tilespmem:s16+$0x0]  }
0xda: {  	v9 =	vld [tilespmem:s16+$0x10]  }
0xdb: {  	v10 =	vld [tilespmem:s16+$0x20]  }
0xdc: {  	v11 =	vld [tilespmem:s16+$0x30]  }
0xdd: {  	v12 =	vld [tilespmem:s16+$0x40]  }
0xde: {  	v13 =	vld [tilespmem:s16+$0x50]  }
0xdf: {  	v14 =	vld [tilespmem:s16+$0x60]  }
0xe0: {  	v15 =	vld [tilespmem:s16+$0xFFFFFF80]  }
0xe1: {  	v0 =	vld.idx.msk [tilespmem:v0+s4+$0x0], $0xffff  }
0xe2: {  	v1 =	vld.idx.msk [tilespmem:v1+s4+$0x0], $0xffff  }
0xe3: {  	v2 =	vld.idx.msk [tilespmem:v2+s4+$0x0], $0xffff  }
0xe4: {  	v3 =	vld.idx.msk [tilespmem:v3+s4+$0x0], $0xffff  }
0xe5: {  	v4 =	vld.idx.msk [tilespmem:v4+s4+$0x0], $0xffff  }
0xe6: {  	s11 =	simm.s32 $0x1D780;
	v5 =	vld.idx.msk [tilespmem:v5+s4+$0x0], $0xffff  }
0xe7: {  	v6 =	vld.idx.msk [tilespmem:v6+s4+$0x0], $0xffff;
	[tilespmem:s11+$0x70] =	vst v0  }
0xe8: {  	v7 =	vld.idx.msk [tilespmem:v7+s4+$0x0], $0xffff;
	[tilespmem:s11+$0xFFFFFF90] =	vst v1  }
0xe9: {  	v15 =	vld.idx.msk [tilespmem:v15+s4+$0x0], $0xffff;
	[tilespmem:s11+$0xFFFFFFA0] =	vst v2  }
0xea: {  	v8 =	vld.idx.msk [tilespmem:v8+s4+$0x0], $0xffff;
	[tilespmem:s11+$0xFFFFFFB0] =	vst v3  }
0xeb: {  	[tilespmem:s11+$0xFFFFFFC0] =	vst v4;
	v0 =	vld.idx.msk [tilespmem:v9+s4+$0x0], $0xffff  }
0xec: {  	[tilespmem:s11+$0xFFFFFFD0] =	vst v5;
	v1 =	vld.idx.msk [tilespmem:v10+s4+$0x0], $0xffff  }
0xed: {  	[tilespmem:s11+$0xFFFFFFE0] =	vst v6;
	v2 =	vld.idx.msk [tilespmem:v11+s4+$0x0], $0xffff  }
0xee: {  	[tilespmem:s11+$0xFFFFFFF0] =	vst v7;
	v3 =	vld.idx.msk [tilespmem:v12+s4+$0x0], $0xffff  }
0xef: {  	[tilespmem:s11+$0xFFFFFF80] =	vst v15;
	v4 =	vld.idx.msk [tilespmem:v13+s4+$0x0], $0xffff  }
0xf0: {  	s14 =	simm.s32 $0x1A880;
	s12 =	simm.s32 $0x0;
	[tilespmem:s11+$0x0] =	vst v8;
	v5 =	vld.idx.msk [tilespmem:v14+s4+$0x0], $0xffff  }
.LBB2_7:
0xf1: {  	v6 =	vld [tilespmem:s14+$0x70];
	s12 =	sadd.s32 $0x100, s12;
	[tilespmem:s11+$0x10] =	vst v0  }
0xf2: {  	v0 =	vld [tilespmem:s14+$0xFFFFFF90];
	p0 =	slt.u32 s12, $0xF00;
	[tilespmem:s11+$0x20] =	vst v1  }
0xf3: {  	v1 =	vld [tilespmem:s14+$0xFFFFFFA0];
	[tilespmem:s11+$0x30] =	vst v2  }
0xf4: {  	v2 =	vld [tilespmem:s14+$0xFFFFFFB0];
	[tilespmem:s11+$0x40] =	vst v3  }
0xf5: {  	v3 =	vld [tilespmem:s14+$0xFFFFFFC0];
	[tilespmem:s11+$0x50] =	vst v4  }
0xf6: {  	v4 =	vld [tilespmem:s14+$0xFFFFFFD0];
	[tilespmem:s11+$0x60] =	vst v5  }
0xf7: {  	v5 =	vld [tilespmem:s14+$0xFFFFFFE0]  }
0xf8: {  	v7 =	vld [tilespmem:s14+$0xFFFFFFF0]  }
0xf9: {  	v6 =	vld.idx.msk [tilespmem:v6+s4+$0x0], $0xffff  }
0xfa: {  	v8 =	vld [tilespmem:s14+$0x0]  }
0xfb: {  	v9 =	vld [tilespmem:s14+$0x10]  }
0xfc: {  	v10 =	vld [tilespmem:s14+$0x20]  }
0xfd: {  	v11 =	vld [tilespmem:s14+$0x30]  }
0xfe: {  	s11 =	sadd.s32 $0x100, s11;
	v12 =	vld [tilespmem:s14+$0x40]  }
0xff: {  	v13 =	vld [tilespmem:s14+$0x50];
	[tilespmem:s11+$0x70] =	vst v6  }
0x100: {  	v6 =	vld [tilespmem:s14+$0x60]  }
0x101: {  	v14 =	vld [tilespmem:s14+$0xFFFFFF80]  }
0x102: {  	v0 =	vld.idx.msk [tilespmem:v0+s4+$0x0], $0xffff  }
0x103: {  	v1 =	vld.idx.msk [tilespmem:v1+s4+$0x0], $0xffff  }
0x104: {  	v2 =	vld.idx.msk [tilespmem:v2+s4+$0x0], $0xffff  }
0x105: {  	v3 =	vld.idx.msk [tilespmem:v3+s4+$0x0], $0xffff  }
0x106: {  	v4 =	vld.idx.msk [tilespmem:v4+s4+$0x0], $0xffff  }
0x107: {  	v5 =	vld.idx.msk [tilespmem:v5+s4+$0x0], $0xffff  }
0x108: {  	[tilespmem:s11+$0xFFFFFF90] =	vst v0;
	v7 =	vld.idx.msk [tilespmem:v7+s4+$0x0], $0xffff  }
0x109: {  	v14 =	vld.idx.msk [tilespmem:v14+s4+$0x0], $0xffff;
	[tilespmem:s11+$0xFFFFFFA0] =	vst v1  }
0x10a: {  	[tilespmem:s11+$0xFFFFFFB0] =	vst v2;
	v8 =	vld.idx.msk [tilespmem:v8+s4+$0x0], $0xffff  }
0x10b: {  	[tilespmem:s11+$0xFFFFFFC0] =	vst v3;
	v0 =	vld.idx.msk [tilespmem:v9+s4+$0x0], $0xffff  }
.Ltmp2:
0x10c: {  	[tilespmem:s11+$0xFFFFFFD0] =	vst v4;
	v1 =	vld.idx.msk [tilespmem:v10+s4+$0x0], $0xffff;
	(pc) =	sbr.rel @p0 .LBB2_7-.Ltmp2, $4  }
0x10d: {  	[tilespmem:s11+$0xFFFFFFE0] =	vst v5;
	v2 =	vld.idx.msk [tilespmem:v11+s4+$0x0], $0xffff  }
0x10e: {  	[tilespmem:s11+$0xFFFFFFF0] =	vst v7;
	v3 =	vld.idx.msk [tilespmem:v12+s4+$0x0], $0xffff  }
0x10f: {  	[tilespmem:s11+$0xFFFFFF80] =	vst v14;
	v4 =	vld.idx.msk [tilespmem:v13+s4+$0x0], $0xffff  }
0x110: {  	s14 =	sadd.s32 $0x100, s14;
	[tilespmem:s11+$0x0] =	vst v8;
	v5 =	vld.idx.msk [tilespmem:v6+s4+$0x0], $0xffff  }
0x111: {  	[tilespmem:s11+$0x10] =	vst v0;
	s5 =	sadd.s32 $0x1, s5  }
0x112: {  	[tilespmem:s11+$0x20] =	vst v1;
	p0 =	sne.s32 s5, $0x42  }
.Ltmp3:
0x113: {  	s9 =	sshll.u32 s9, $0x12;
	[tilespmem:s11+$0x30] =	vst v2;
	(pc) =	sbr.rel @p0 .LBB2_2-.Ltmp3, $4  }
0x114: {  	s9 =	sor.u32 s7, s9;
	[tilespmem:s11+$0x40] =	vst v3  }
0x115: {  	s9 =	sshrl.u32 s9, $0x3;
	[tilespmem:s11+$0x50] =	vst v4  }
0x116: {  	s9 =	sadd.s32 s2, s9;
	[tilespmem:s11+$0x60] =	vst v5  }
0x117: {  	[hbm4b:s9+s17] =	stream.strided.scatter [tilespmem:s29], [sflag:$0x6], $0x1000, s18, s17, $0x38;
	[tilespmem:$0x1E700] =	vst v63  }
0x118: {  	_ =	swait.ge [sflag:s23], $0x1000  }
0x119: {  	[sflag:s23] =	ssyncset.done $0x0  }
0x11a: {  	[sflag:s23] =	ssyncadd.s32 $0xFFFFF000  }
0x11b: {  	_ =	swait.ge [sflag:s30], $0x1000  }
0x11c: {  	[sflag:s30] =	ssyncset.done $0x0  }
0x11d: {  	s5 =	simm.s32 $0x18780;
	[sflag:s30] =	ssyncadd.s32 $0xFFFFF000  }
0x11e: {  	v0 =	vld [tilespmem:s5+$0x70]  }
0x11f: {  	v1 =	vld [tilespmem:s5+$0xFFFFFF90]  }
0x120: {  	v2 =	vld [tilespmem:s5+$0xFFFFFFA0]  }
0x121: {  	v3 =	vld [tilespmem:s5+$0xFFFFFFB0]  }
0x122: {  	v4 =	vld [tilespmem:s5+$0xFFFFFFC0]  }
0x123: {  	v5 =	vld [tilespmem:s5+$0xFFFFFFD0]  }
0x124: {  	v6 =	vld [tilespmem:s5+$0xFFFFFFE0]  }
0x125: {  	v7 =	vld [tilespmem:s5+$0xFFFFFFF0]  }
0x126: {  	v8 =	vld [tilespmem:s5+$0x0]  }
0x127: {  	v9 =	vld [tilespmem:s5+$0x10]  }
0x128: {  	v10 =	vld [tilespmem:s5+$0x20]  }
0x129: {  	v11 =	vld [tilespmem:s5+$0x30]  }
0x12a: {  	v12 =	vld [tilespmem:s5+$0x40]  }
0x12b: {  	v13 =	vld [tilespmem:s5+$0x50]  }
0x12c: {  	v14 =	vld [tilespmem:s5+$0x60]  }
0x12d: {  	v15 =	vld [tilespmem:s5+$0xFFFFFF80]  }
0x12e: {  	v0 =	vld.idx.msk [tilespmem:v0+s4+$0x0], $0xffff  }
0x12f: {  	v1 =	vld.idx.msk [tilespmem:v1+s4+$0x0], $0xffff  }
0x130: {  	v2 =	vld.idx.msk [tilespmem:v2+s4+$0x0], $0xffff  }
0x131: {  	v3 =	vld.idx.msk [tilespmem:v3+s4+$0x0], $0xffff  }
0x132: {  	v4 =	vld.idx.msk [tilespmem:v4+s4+$0x0], $0xffff  }
0x133: {  	s5 =	simm.s32 $0x1B780;
	v5 =	vld.idx.msk [tilespmem:v5+s4+$0x0], $0xffff  }
0x134: {  	v6 =	vld.idx.msk [tilespmem:v6+s4+$0x0], $0xffff;
	[tilespmem:s5+$0x70] =	vst v0  }
0x135: {  	v7 =	vld.idx.msk [tilespmem:v7+s4+$0x0], $0xffff;
	[tilespmem:s5+$0xFFFFFF90] =	vst v1  }
0x136: {  	v15 =	vld.idx.msk [tilespmem:v15+s4+$0x0], $0xffff;
	[tilespmem:s5+$0xFFFFFFA0] =	vst v2  }
0x137: {  	v8 =	vld.idx.msk [tilespmem:v8+s4+$0x0], $0xffff;
	[tilespmem:s5+$0xFFFFFFB0] =	vst v3  }
0x138: {  	[tilespmem:s5+$0xFFFFFFC0] =	vst v4;
	v0 =	vld.idx.msk [tilespmem:v9+s4+$0x0], $0xffff  }
0x139: {  	[tilespmem:s5+$0xFFFFFFD0] =	vst v5;
	v1 =	vld.idx.msk [tilespmem:v10+s4+$0x0], $0xffff  }
0x13a: {  	[tilespmem:s5+$0xFFFFFFE0] =	vst v6;
	v2 =	vld.idx.msk [tilespmem:v11+s4+$0x0], $0xffff  }
0x13b: {  	[tilespmem:s5+$0xFFFFFFF0] =	vst v7;
	v3 =	vld.idx.msk [tilespmem:v12+s4+$0x0], $0xffff  }
0x13c: {  	[tilespmem:s5+$0xFFFFFF80] =	vst v15;
	v4 =	vld.idx.msk [tilespmem:v13+s4+$0x0], $0xffff  }
0x13d: {  	s9 =	simm.s32 $0x0;
	s11 =	simm.s32 $0x18880;
	[tilespmem:s5+$0x0] =	vst v8;
	v5 =	vld.idx.msk [tilespmem:v14+s4+$0x0], $0xffff  }
.LBB2_10:
0x13e: {  	v6 =	vld [tilespmem:s11+$0x70];
	s9 =	sadd.s32 $0x100, s9;
	[tilespmem:s5+$0x10] =	vst v0  }
0x13f: {  	v0 =	vld [tilespmem:s11+$0xFFFFFF90];
	p0 =	slt.u32 s9, $0xF00;
	[tilespmem:s5+$0x20] =	vst v1  }
0x140: {  	v1 =	vld [tilespmem:s11+$0xFFFFFFA0];
	[tilespmem:s5+$0x30] =	vst v2  }
0x141: {  	v2 =	vld [tilespmem:s11+$0xFFFFFFB0];
	[tilespmem:s5+$0x40] =	vst v3  }
0x142: {  	v3 =	vld [tilespmem:s11+$0xFFFFFFC0];
	[tilespmem:s5+$0x50] =	vst v4  }
0x143: {  	v4 =	vld [tilespmem:s11+$0xFFFFFFD0];
	[tilespmem:s5+$0x60] =	vst v5  }
0x144: {  	v5 =	vld [tilespmem:s11+$0xFFFFFFE0]  }
0x145: {  	v7 =	vld [tilespmem:s11+$0xFFFFFFF0]  }
0x146: {  	v6 =	vld.idx.msk [tilespmem:v6+s4+$0x0], $0xffff  }
0x147: {  	v8 =	vld [tilespmem:s11+$0x0]  }
0x148: {  	v9 =	vld [tilespmem:s11+$0x10]  }
0x149: {  	v10 =	vld [tilespmem:s11+$0x20]  }
0x14a: {  	v11 =	vld [tilespmem:s11+$0x30]  }
0x14b: {  	s5 =	sadd.s32 $0x100, s5;
	v12 =	vld [tilespmem:s11+$0x40]  }
0x14c: {  	v13 =	vld [tilespmem:s11+$0x50];
	[tilespmem:s5+$0x70] =	vst v6  }
0x14d: {  	v6 =	vld [tilespmem:s11+$0x60]  }
0x14e: {  	v14 =	vld [tilespmem:s11+$0xFFFFFF80]  }
0x14f: {  	v0 =	vld.idx.msk [tilespmem:v0+s4+$0x0], $0xffff  }
0x150: {  	v1 =	vld.idx.msk [tilespmem:v1+s4+$0x0], $0xffff  }
0x151: {  	v2 =	vld.idx.msk [tilespmem:v2+s4+$0x0], $0xffff  }
0x152: {  	v3 =	vld.idx.msk [tilespmem:v3+s4+$0x0], $0xffff  }
0x153: {  	v4 =	vld.idx.msk [tilespmem:v4+s4+$0x0], $0xffff  }
0x154: {  	v5 =	vld.idx.msk [tilespmem:v5+s4+$0x0], $0xffff  }
0x155: {  	[tilespmem:s5+$0xFFFFFF90] =	vst v0;
	v7 =	vld.idx.msk [tilespmem:v7+s4+$0x0], $0xffff  }
0x156: {  	v14 =	vld.idx.msk [tilespmem:v14+s4+$0x0], $0xffff;
	[tilespmem:s5+$0xFFFFFFA0] =	vst v1  }
0x157: {  	[tilespmem:s5+$0xFFFFFFB0] =	vst v2;
	v8 =	vld.idx.msk [tilespmem:v8+s4+$0x0], $0xffff  }
0x158: {  	[tilespmem:s5+$0xFFFFFFC0] =	vst v3;
	v0 =	vld.idx.msk [tilespmem:v9+s4+$0x0], $0xffff  }
.Ltmp4:
0x159: {  	[tilespmem:s5+$0xFFFFFFD0] =	vst v4;
	v1 =	vld.idx.msk [tilespmem:v10+s4+$0x0], $0xffff;
	(pc) =	sbr.rel @p0 .LBB2_10-.Ltmp4, $4  }
0x15a: {  	[tilespmem:s5+$0xFFFFFFE0] =	vst v5;
	v2 =	vld.idx.msk [tilespmem:v11+s4+$0x0], $0xffff  }
0x15b: {  	[tilespmem:s5+$0xFFFFFFF0] =	vst v7;
	v3 =	vld.idx.msk [tilespmem:v12+s4+$0x0], $0xffff  }
0x15c: {  	[tilespmem:s5+$0xFFFFFF80] =	vst v14;
	v4 =	vld.idx.msk [tilespmem:v13+s4+$0x0], $0xffff  }
0x15d: {  	s11 =	sadd.s32 $0x100, s11;
	[tilespmem:s5+$0x0] =	vst v8;
	v5 =	vld.idx.msk [tilespmem:v6+s4+$0x0], $0xffff  }
0x15e: {  	[tilespmem:s5+$0x10] =	vst v0  }
0x15f: {  	[tilespmem:s5+$0x20] =	vst v1  }
0x160: {  	[tilespmem:s5+$0x30] =	vst v2  }
0x161: {  	[tilespmem:s5+$0x40] =	vst v3  }
0x162: {  	[tilespmem:s5+$0x50] =	vst v4  }
0x163: {  	[tilespmem:s5+$0x60] =	vst v5  }
0x164: {  	s5 =	rddreg [dreg:$0x5]  }
0x165: {  	[hbm4b:s5+s17] =	stream.strided.scatter [tilespmem:s24], [sflag:$0x4], $0x1000, s18, s17, $0x38;
	[tilespmem:$0x1E700] =	vst v63  }
0x166: {  	_ =	swait.ge [sflag:s25], $0x1000  }
0x167: {  	[sflag:s25] =	ssyncset.done $0x0  }
0x168: {  	[sflag:s25] =	ssyncadd.s32 $0xFFFFF000  }
0x169: {  	_ =	swait.ge [sflag:s31], $0x1000  }
0x16a: {  	[sflag:s31] =	ssyncset.done $0x0  }
0x16b: {  	s16 =	simm.s32 $0x19780;
	[sflag:s31] =	ssyncadd.s32 $0xFFFFF000  }
0x16c: {  	v0 =	vld [tilespmem:s16+$0x70]  }
0x16d: {  	v1 =	vld [tilespmem:s16+$0xFFFFFF90]  }
0x16e: {  	v2 =	vld [tilespmem:s16+$0xFFFFFFA0]  }
0x16f: {  	v3 =	vld [tilespmem:s16+$0xFFFFFFB0]  }
0x170: {  	v4 =	vld [tilespmem:s16+$0xFFFFFFC0]  }
0x171: {  	v5 =	vld [tilespmem:s16+$0xFFFFFFD0]  }
0x172: {  	v6 =	vld [tilespmem:s16+$0xFFFFFFE0]  }
0x173: {  	v7 =	vld [tilespmem:s16+$0xFFFFFFF0]  }
0x174: {  	v8 =	vld [tilespmem:s16+$0x0]  }
0x175: {  	v9 =	vld [tilespmem:s16+$0x10]  }
0x176: {  	v10 =	vld [tilespmem:s16+$0x20]  }
0x177: {  	v11 =	vld [tilespmem:s16+$0x30]  }
0x178: {  	v12 =	vld [tilespmem:s16+$0x40]  }
0x179: {  	v13 =	vld [tilespmem:s16+$0x50]  }
0x17a: {  	v14 =	vld [tilespmem:s16+$0x60]  }
0x17b: {  	v15 =	vld [tilespmem:s16+$0xFFFFFF80]  }
0x17c: {  	v0 =	vld.idx.msk [tilespmem:v0+s4+$0x0], $0xffff  }
0x17d: {  	v1 =	vld.idx.msk [tilespmem:v1+s4+$0x0], $0xffff  }
0x17e: {  	v2 =	vld.idx.msk [tilespmem:v2+s4+$0x0], $0xffff  }
0x17f: {  	v3 =	vld.idx.msk [tilespmem:v3+s4+$0x0], $0xffff  }
0x180: {  	v4 =	vld.idx.msk [tilespmem:v4+s4+$0x0], $0xffff  }
0x181: {  	s5 =	simm.s32 $0x1C780;
	v5 =	vld.idx.msk [tilespmem:v5+s4+$0x0], $0xffff  }
0x182: {  	v6 =	vld.idx.msk [tilespmem:v6+s4+$0x0], $0xffff;
	[tilespmem:s5+$0x70] =	vst v0  }
0x183: {  	v7 =	vld.idx.msk [tilespmem:v7+s4+$0x0], $0xffff;
	[tilespmem:s5+$0xFFFFFF90] =	vst v1  }
0x184: {  	v15 =	vld.idx.msk [tilespmem:v15+s4+$0x0], $0xffff;
	[tilespmem:s5+$0xFFFFFFA0] =	vst v2  }
0x185: {  	v8 =	vld.idx.msk [tilespmem:v8+s4+$0x0], $0xffff;
	[tilespmem:s5+$0xFFFFFFB0] =	vst v3  }
0x186: {  	[tilespmem:s5+$0xFFFFFFC0] =	vst v4;
	v0 =	vld.idx.msk [tilespmem:v9+s4+$0x0], $0xffff  }
0x187: {  	[tilespmem:s5+$0xFFFFFFD0] =	vst v5;
	v1 =	vld.idx.msk [tilespmem:v10+s4+$0x0], $0xffff  }
0x188: {  	[tilespmem:s5+$0xFFFFFFE0] =	vst v6;
	v2 =	vld.idx.msk [tilespmem:v11+s4+$0x0], $0xffff  }
0x189: {  	[tilespmem:s5+$0xFFFFFFF0] =	vst v7;
	v3 =	vld.idx.msk [tilespmem:v12+s4+$0x0], $0xffff  }
0x18a: {  	[tilespmem:s5+$0xFFFFFF80] =	vst v15;
	v4 =	vld.idx.msk [tilespmem:v13+s4+$0x0], $0xffff  }
0x18b: {  	s9 =	simm.s32 $0x0;
	s11 =	simm.s32 $0x19880;
	[tilespmem:s5+$0x0] =	vst v8;
	v5 =	vld.idx.msk [tilespmem:v14+s4+$0x0], $0xffff  }
.LBB2_12:
0x18c: {  	v6 =	vld [tilespmem:s11+$0x70];
	s9 =	sadd.s32 $0x100, s9;
	[tilespmem:s5+$0x10] =	vst v0  }
0x18d: {  	v0 =	vld [tilespmem:s11+$0xFFFFFF90];
	p0 =	slt.u32 s9, $0xF00;
	[tilespmem:s5+$0x20] =	vst v1  }
0x18e: {  	v1 =	vld [tilespmem:s11+$0xFFFFFFA0];
	[tilespmem:s5+$0x30] =	vst v2  }
0x18f: {  	v2 =	vld [tilespmem:s11+$0xFFFFFFB0];
	[tilespmem:s5+$0x40] =	vst v3  }
0x190: {  	v3 =	vld [tilespmem:s11+$0xFFFFFFC0];
	[tilespmem:s5+$0x50] =	vst v4  }
0x191: {  	v4 =	vld [tilespmem:s11+$0xFFFFFFD0];
	[tilespmem:s5+$0x60] =	vst v5  }
0x192: {  	v5 =	vld [tilespmem:s11+$0xFFFFFFE0]  }
0x193: {  	v7 =	vld [tilespmem:s11+$0xFFFFFFF0]  }
0x194: {  	v6 =	vld.idx.msk [tilespmem:v6+s4+$0x0], $0xffff  }
0x195: {  	v8 =	vld [tilespmem:s11+$0x0]  }
0x196: {  	v9 =	vld [tilespmem:s11+$0x10]  }
0x197: {  	v10 =	vld [tilespmem:s11+$0x20]  }
0x198: {  	v11 =	vld [tilespmem:s11+$0x30]  }
0x199: {  	s5 =	sadd.s32 $0x100, s5;
	v12 =	vld [tilespmem:s11+$0x40]  }
0x19a: {  	v13 =	vld [tilespmem:s11+$0x50];
	[tilespmem:s5+$0x70] =	vst v6  }
0x19b: {  	v6 =	vld [tilespmem:s11+$0x60]  }
0x19c: {  	v14 =	vld [tilespmem:s11+$0xFFFFFF80]  }
0x19d: {  	v0 =	vld.idx.msk [tilespmem:v0+s4+$0x0], $0xffff  }
0x19e: {  	v1 =	vld.idx.msk [tilespmem:v1+s4+$0x0], $0xffff  }
0x19f: {  	v2 =	vld.idx.msk [tilespmem:v2+s4+$0x0], $0xffff  }
0x1a0: {  	v3 =	vld.idx.msk [tilespmem:v3+s4+$0x0], $0xffff  }
0x1a1: {  	v4 =	vld.idx.msk [tilespmem:v4+s4+$0x0], $0xffff  }
0x1a2: {  	v5 =	vld.idx.msk [tilespmem:v5+s4+$0x0], $0xffff  }
0x1a3: {  	[tilespmem:s5+$0xFFFFFF90] =	vst v0;
	v7 =	vld.idx.msk [tilespmem:v7+s4+$0x0], $0xffff  }
0x1a4: {  	v14 =	vld.idx.msk [tilespmem:v14+s4+$0x0], $0xffff;
	[tilespmem:s5+$0xFFFFFFA0] =	vst v1  }
0x1a5: {  	[tilespmem:s5+$0xFFFFFFB0] =	vst v2;
	v8 =	vld.idx.msk [tilespmem:v8+s4+$0x0], $0xffff  }
0x1a6: {  	[tilespmem:s5+$0xFFFFFFC0] =	vst v3;
	v0 =	vld.idx.msk [tilespmem:v9+s4+$0x0], $0xffff  }
.Ltmp5:
0x1a7: {  	[tilespmem:s5+$0xFFFFFFD0] =	vst v4;
	v1 =	vld.idx.msk [tilespmem:v10+s4+$0x0], $0xffff;
	(pc) =	sbr.rel @p0 .LBB2_12-.Ltmp5, $4  }
0x1a8: {  	[tilespmem:s5+$0xFFFFFFE0] =	vst v5;
	v2 =	vld.idx.msk [tilespmem:v11+s4+$0x0], $0xffff  }
0x1a9: {  	[tilespmem:s5+$0xFFFFFFF0] =	vst v7;
	v3 =	vld.idx.msk [tilespmem:v12+s4+$0x0], $0xffff  }
0x1aa: {  	[tilespmem:s5+$0xFFFFFF80] =	vst v14;
	v4 =	vld.idx.msk [tilespmem:v13+s4+$0x0], $0xffff  }
0x1ab: {  	s11 =	sadd.s32 $0x100, s11;
	[tilespmem:s5+$0x0] =	vst v8;
	v5 =	vld.idx.msk [tilespmem:v6+s4+$0x0], $0xffff  }
0x1ac: {  	[tilespmem:s5+$0x10] =	vst v0  }
0x1ad: {  	[tilespmem:s5+$0x20] =	vst v1  }
0x1ae: {  	[tilespmem:s5+$0x30] =	vst v2  }
0x1af: {  	[tilespmem:s5+$0x40] =	vst v3  }
0x1b0: {  	[tilespmem:s5+$0x50] =	vst v4  }
0x1b1: {  	[tilespmem:s5+$0x60] =	vst v5  }
0x1b2: {  	s5 =	rddreg [dreg:$0x6]  }
0x1b3: {  	[hbm4b:s5+s17] =	stream.strided.scatter [tilespmem:s26], [sflag:$0x5], $0x1000, s18, s17, $0x38;
	[tilespmem:$0x1E700] =	vst v63  }
0x1b4: {  	_ =	swait.ge [sflag:s3], $0x1000  }
0x1b5: {  	[sflag:s3] =	ssyncset.done $0x0  }
0x1b6: {  	[sflag:s3] =	ssyncadd.s32 $0xFFFFF000  }
0x1b7: {  	_ =	swait.ge [sflag:s30], $0x1000  }
0x1b8: {  	[sflag:s30] =	ssyncset.done $0x0  }
0x1b9: {  	[sflag:s30] =	ssyncadd.s32 $0xFFFFF000  }
0x1ba: {  	_ =	swait.ge [sflag:s31], $0x1000  }
0x1bb: {  	[sflag:s31] =	ssyncset.done $0x0  }
0x1bc: {  	s5 =	simm.s32 $0x0;
	s9 =	rddreg [dreg:$0x7];
	[sflag:s31] =	ssyncadd.s32 $0xFFFFF000  }
0x1bd: {  	[tilespmem:s5], [sflag:$0x7] =	stream.strided.gather [hbm4b:s9+s17], $0x18700, s18, s17, $0x38;
	[tilespmem:$0x1E700] =	vst v63  }
0x1be: {  	_ =	swait.ge [sflag:s19], $0x18700  }
0x1bf: {  	[sflag:s19] =	ssyncset.done $0x0  }
0x1c0: {  	[sflag:s19] =	ssyncadd.s32 $0xFFFE7900  }
0x1c1: {  	[tilespmem:s20], [sflag:$0x1] =	stream.strided.gather [hbm4b:s1+s17], $0x1000, s18, s17, $0x38;
	[tilespmem:$0x1E700] =	vst v63  }
0x1c2: {  	_ = 	snop  }
0x1c3: {  	[tilespmem:s21], [sflag:$0x2] =	stream.strided.gather [hbm4b:s6+s17], $0x1000, s18, s17, $0x38;
	[tilespmem:$0x1E700] =	vst v63  }
.LBB2_14:
0x1c4: {  	s11 =	smul.u32 $0x3, s5;
	_ =	sdelay $0x1  }
0x1c5: {  	s9 =	sadd.s32 $0x2, s11  }
0x1c6: {  	s12 =	sshll.u32 s9, $0x4  }
0x1c7: {  	s14 =	sshll.u32 s9, $0x9;
	s12 =	sand.u32 $0x70, s12  }
0x1c8: {  	s14 =	sand.u32 $0x7F000, s14;
	s12 =	sadd.s32 s1, s12  }
0x1c9: {  	s12 =	sadd.s32 s14, s12  }
0x1ca: {  	[tilespmem:s22], [sflag:$0x3] =	stream.strided.gather [hbm4b:s12+s17], $0x1000, s18, s17, $0x38;
	[tilespmem:$0x1E700] =	vst v63  }
0x1cb: {  	_ =	swait.ge [sflag:s23], $0x1000  }
0x1cc: {  	p0 =	seq.s32 s5, $0x0;
	[sflag:s23] =	ssyncset.done $0x0  }
0x1cd: {  	s12 =	simm.s32 @!p0 $0x4;
	[sflag:s23] =	ssyncadd.s32 $0xFFFFF000  }
0x1ce: {  	_ =	swait.ge @!p0 [sflag:s12], $0x1000  }
0x1cf: {  	[sflag:s12] =	ssyncset.done @!p0 $0x0  }
0x1d0: {  	s16 =	simm.s32 $0x18780;
	[sflag:s12] =	ssyncadd.s32 @!p0 $0xFFFFF000  }
0x1d1: {  	v0 =	vld [tilespmem:s16+$0x70]  }
0x1d2: {  	v1 =	vld [tilespmem:s16+$0xFFFFFF90]  }
0x1d3: {  	v2 =	vld [tilespmem:s16+$0xFFFFFFA0]  }
0x1d4: {  	v3 =	vld [tilespmem:s16+$0xFFFFFFB0]  }
0x1d5: {  	v4 =	vld [tilespmem:s16+$0xFFFFFFC0]  }
0x1d6: {  	v5 =	vld [tilespmem:s16+$0xFFFFFFD0]  }
0x1d7: {  	v6 =	vld [tilespmem:s16+$0xFFFFFFE0]  }
0x1d8: {  	v7 =	vld [tilespmem:s16+$0xFFFFFFF0]  }
0x1d9: {  	v8 =	vld [tilespmem:s16+$0x0]  }
0x1da: {  	v9 =	vld [tilespmem:s16+$0x10]  }
0x1db: {  	v10 =	vld [tilespmem:s16+$0x20]  }
0x1dc: {  	v11 =	vld [tilespmem:s16+$0x30]  }
0x1dd: {  	v12 =	vld [tilespmem:s16+$0x40]  }
0x1de: {  	v13 =	vld [tilespmem:s16+$0x50]  }
0x1df: {  	v14 =	vld [tilespmem:s16+$0x60]  }
0x1e0: {  	v15 =	vld [tilespmem:s16+$0xFFFFFF80]  }
0x1e1: {  	v0 =	vld.idx.msk [tilespmem:v0+s4+$0x0], $0xffff  }
0x1e2: {  	v1 =	vld.idx.msk [tilespmem:v1+s4+$0x0], $0xffff  }
0x1e3: {  	v2 =	vld.idx.msk [tilespmem:v2+s4+$0x0], $0xffff  }
0x1e4: {  	v3 =	vld.idx.msk [tilespmem:v3+s4+$0x0], $0xffff  }
0x1e5: {  	v4 =	vld.idx.msk [tilespmem:v4+s4+$0x0], $0xffff  }
0x1e6: {  	s14 =	simm.s32 $0x1B780;
	v5 =	vld.idx.msk [tilespmem:v5+s4+$0x0], $0xffff  }
0x1e7: {  	v6 =	vld.idx.msk [tilespmem:v6+s4+$0x0], $0xffff;
	[tilespmem:s14+$0x70] =	vst v0  }
0x1e8: {  	v7 =	vld.idx.msk [tilespmem:v7+s4+$0x0], $0xffff;
	[tilespmem:s14+$0xFFFFFF90] =	vst v1  }
0x1e9: {  	v15 =	vld.idx.msk [tilespmem:v15+s4+$0x0], $0xffff;
	[tilespmem:s14+$0xFFFFFFA0] =	vst v2  }
0x1ea: {  	v8 =	vld.idx.msk [tilespmem:v8+s4+$0x0], $0xffff;
	[tilespmem:s14+$0xFFFFFFB0] =	vst v3  }
0x1eb: {  	[tilespmem:s14+$0xFFFFFFC0] =	vst v4;
	v0 =	vld.idx.msk [tilespmem:v9+s4+$0x0], $0xffff  }
0x1ec: {  	[tilespmem:s14+$0xFFFFFFD0] =	vst v5;
	v1 =	vld.idx.msk [tilespmem:v10+s4+$0x0], $0xffff  }
0x1ed: {  	[tilespmem:s14+$0xFFFFFFE0] =	vst v6;
	v2 =	vld.idx.msk [tilespmem:v11+s4+$0x0], $0xffff  }
0x1ee: {  	[tilespmem:s14+$0xFFFFFFF0] =	vst v7;
	v3 =	vld.idx.msk [tilespmem:v12+s4+$0x0], $0xffff  }
0x1ef: {  	[tilespmem:s14+$0xFFFFFF80] =	vst v15;
	v4 =	vld.idx.msk [tilespmem:v13+s4+$0x0], $0xffff  }
0x1f0: {  	s15 =	simm.s32 $0x18880;
	s12 =	simm.s32 $0x0;
	[tilespmem:s14+$0x0] =	vst v8;
	v5 =	vld.idx.msk [tilespmem:v14+s4+$0x0], $0xffff  }
.LBB2_15:
0x1f1: {  	v6 =	vld [tilespmem:s15+$0x70];
	s12 =	sadd.s32 $0x100, s12;
	[tilespmem:s14+$0x10] =	vst v0  }
0x1f2: {  	v0 =	vld [tilespmem:s15+$0xFFFFFF90];
	p1 =	slt.u32 s12, $0xF00;
	[tilespmem:s14+$0x20] =	vst v1  }
0x1f3: {  	v1 =	vld [tilespmem:s15+$0xFFFFFFA0];
	[tilespmem:s14+$0x30] =	vst v2  }
0x1f4: {  	v2 =	vld [tilespmem:s15+$0xFFFFFFB0];
	[tilespmem:s14+$0x40] =	vst v3  }
0x1f5: {  	v3 =	vld [tilespmem:s15+$0xFFFFFFC0];
	[tilespmem:s14+$0x50] =	vst v4  }
0x1f6: {  	v4 =	vld [tilespmem:s15+$0xFFFFFFD0];
	[tilespmem:s14+$0x60] =	vst v5  }
0x1f7: {  	v5 =	vld [tilespmem:s15+$0xFFFFFFE0]  }
0x1f8: {  	v7 =	vld [tilespmem:s15+$0xFFFFFFF0]  }
0x1f9: {  	v6 =	vld.idx.msk [tilespmem:v6+s4+$0x0], $0xffff  }
0x1fa: {  	v8 =	vld [tilespmem:s15+$0x0]  }
0x1fb: {  	v9 =	vld [tilespmem:s15+$0x10]  }
0x1fc: {  	v10 =	vld [tilespmem:s15+$0x20]  }
0x1fd: {  	v11 =	vld [tilespmem:s15+$0x30]  }
0x1fe: {  	s14 =	sadd.s32 $0x100, s14;
	v12 =	vld [tilespmem:s15+$0x40]  }
0x1ff: {  	v13 =	vld [tilespmem:s15+$0x50];
	[tilespmem:s14+$0x70] =	vst v6  }
0x200: {  	v6 =	vld [tilespmem:s15+$0x60]  }
0x201: {  	v14 =	vld [tilespmem:s15+$0xFFFFFF80]  }
0x202: {  	v0 =	vld.idx.msk [tilespmem:v0+s4+$0x0], $0xffff  }
0x203: {  	v1 =	vld.idx.msk [tilespmem:v1+s4+$0x0], $0xffff  }
0x204: {  	v2 =	vld.idx.msk [tilespmem:v2+s4+$0x0], $0xffff  }
0x205: {  	v3 =	vld.idx.msk [tilespmem:v3+s4+$0x0], $0xffff  }
0x206: {  	v4 =	vld.idx.msk [tilespmem:v4+s4+$0x0], $0xffff  }
0x207: {  	v5 =	vld.idx.msk [tilespmem:v5+s4+$0x0], $0xffff  }
0x208: {  	[tilespmem:s14+$0xFFFFFF90] =	vst v0;
	v7 =	vld.idx.msk [tilespmem:v7+s4+$0x0], $0xffff  }
0x209: {  	v14 =	vld.idx.msk [tilespmem:v14+s4+$0x0], $0xffff;
	[tilespmem:s14+$0xFFFFFFA0] =	vst v1  }
0x20a: {  	[tilespmem:s14+$0xFFFFFFB0] =	vst v2;
	v8 =	vld.idx.msk [tilespmem:v8+s4+$0x0], $0xffff  }
0x20b: {  	[tilespmem:s14+$0xFFFFFFC0] =	vst v3;
	v0 =	vld.idx.msk [tilespmem:v9+s4+$0x0], $0xffff  }
.Ltmp6:
0x20c: {  	[tilespmem:s14+$0xFFFFFFD0] =	vst v4;
	v1 =	vld.idx.msk [tilespmem:v10+s4+$0x0], $0xffff;
	(pc) =	sbr.rel @p1 .LBB2_15-.Ltmp6, $4  }
0x20d: {  	[tilespmem:s14+$0xFFFFFFE0] =	vst v5;
	v2 =	vld.idx.msk [tilespmem:v11+s4+$0x0], $0xffff  }
0x20e: {  	[tilespmem:s14+$0xFFFFFFF0] =	vst v7;
	v3 =	vld.idx.msk [tilespmem:v12+s4+$0x0], $0xffff  }
0x20f: {  	[tilespmem:s14+$0xFFFFFF80] =	vst v14;
	v4 =	vld.idx.msk [tilespmem:v13+s4+$0x0], $0xffff  }
0x210: {  	s15 =	sadd.s32 $0x100, s15;
	[tilespmem:s14+$0x0] =	vst v8;
	v5 =	vld.idx.msk [tilespmem:v6+s4+$0x0], $0xffff  }
0x211: {  	[tilespmem:s14+$0x10] =	vst v0  }
0x212: {  	[tilespmem:s14+$0x20] =	vst v1;
	s12 =	smul.u32 $0xC0000, s5  }
0x213: {  	[tilespmem:s14+$0x30] =	vst v2  }
0x214: {  	[tilespmem:s14+$0x40] =	vst v3;
	s15 =	sor.u32 s12, s10  }
0x215: {  	[tilespmem:s14+$0x50] =	vst v4;
	s15 =	sshrl.u32 s15, $0x3  }
0x216: {  	[tilespmem:s14+$0x60] =	vst v5;
	s16 =	sadd.s32 s2, s15;
	s15 =	sadd.s32 $0x3, s11  }
0x217: {  	[hbm4b:s16+s17] =	stream.strided.scatter [tilespmem:s24], [sflag:$0x4], $0x1000, s18, s17, $0x38;
	[tilespmem:$0x1E700] =	vst v63  }
0x218: {  	s16 =	sshll.u32 s15, $0x4  }
0x219: {  	s14 =	sshll.u32 s15, $0x9;
	s15 =	sand.u32 $0x70, s16  }
0x21a: {  	s14 =	sand.u32 $0x7F000, s14;
	s15 =	sadd.s32 s1, s15  }
0x21b: {  	s14 =	sadd.s32 s14, s15  }
0x21c: {  	[tilespmem:s20], [sflag:$0x1] =	stream.strided.gather [hbm4b:s14+s17], $0x1000, s18, s17, $0x38;
	[tilespmem:$0x1E700] =	vst v63  }
0x21d: {  	_ =	swait.ge [sflag:s25], $0x1000  }
0x21e: {  	[sflag:s25] =	ssyncset.done $0x0  }
0x21f: {  	s14 =	simm.s32 @!p0 $0x5;
	[sflag:s25] =	ssyncadd.s32 $0xFFFFF000  }
0x220: {  	_ =	swait.ge @!p0 [sflag:s14], $0x1000  }
0x221: {  	[sflag:s14] =	ssyncset.done @!p0 $0x0  }
0x222: {  	s16 =	simm.s32 $0x19780;
	[sflag:s14] =	ssyncadd.s32 @!p0 $0xFFFFF000  }
0x223: {  	v0 =	vld [tilespmem:s16+$0x70]  }
0x224: {  	v1 =	vld [tilespmem:s16+$0xFFFFFF90]  }
0x225: {  	v2 =	vld [tilespmem:s16+$0xFFFFFFA0]  }
0x226: {  	v3 =	vld [tilespmem:s16+$0xFFFFFFB0]  }
0x227: {  	v4 =	vld [tilespmem:s16+$0xFFFFFFC0]  }
0x228: {  	v5 =	vld [tilespmem:s16+$0xFFFFFFD0]  }
0x229: {  	v6 =	vld [tilespmem:s16+$0xFFFFFFE0]  }
0x22a: {  	v7 =	vld [tilespmem:s16+$0xFFFFFFF0]  }
0x22b: {  	v8 =	vld [tilespmem:s16+$0x0]  }
0x22c: {  	v9 =	vld [tilespmem:s16+$0x10]  }
0x22d: {  	v10 =	vld [tilespmem:s16+$0x20]  }
0x22e: {  	v11 =	vld [tilespmem:s16+$0x30]  }
0x22f: {  	v12 =	vld [tilespmem:s16+$0x40]  }
0x230: {  	v13 =	vld [tilespmem:s16+$0x50]  }
0x231: {  	v14 =	vld [tilespmem:s16+$0x60]  }
0x232: {  	v15 =	vld [tilespmem:s16+$0xFFFFFF80]  }
0x233: {  	v0 =	vld.idx.msk [tilespmem:v0+s4+$0x0], $0xffff  }
0x234: {  	v1 =	vld.idx.msk [tilespmem:v1+s4+$0x0], $0xffff  }
0x235: {  	v2 =	vld.idx.msk [tilespmem:v2+s4+$0x0], $0xffff  }
0x236: {  	v3 =	vld.idx.msk [tilespmem:v3+s4+$0x0], $0xffff  }
0x237: {  	v4 =	vld.idx.msk [tilespmem:v4+s4+$0x0], $0xffff  }
0x238: {  	s14 =	simm.s32 $0x1C780;
	v5 =	vld.idx.msk [tilespmem:v5+s4+$0x0], $0xffff  }
0x239: {  	v6 =	vld.idx.msk [tilespmem:v6+s4+$0x0], $0xffff;
	[tilespmem:s14+$0x70] =	vst v0  }
0x23a: {  	v7 =	vld.idx.msk [tilespmem:v7+s4+$0x0], $0xffff;
	[tilespmem:s14+$0xFFFFFF90] =	vst v1  }
0x23b: {  	v15 =	vld.idx.msk [tilespmem:v15+s4+$0x0], $0xffff;
	[tilespmem:s14+$0xFFFFFFA0] =	vst v2  }
0x23c: {  	v8 =	vld.idx.msk [tilespmem:v8+s4+$0x0], $0xffff;
	[tilespmem:s14+$0xFFFFFFB0] =	vst v3  }
0x23d: {  	[tilespmem:s14+$0xFFFFFFC0] =	vst v4;
	v0 =	vld.idx.msk [tilespmem:v9+s4+$0x0], $0xffff  }
0x23e: {  	[tilespmem:s14+$0xFFFFFFD0] =	vst v5;
	v1 =	vld.idx.msk [tilespmem:v10+s4+$0x0], $0xffff  }
0x23f: {  	[tilespmem:s14+$0xFFFFFFE0] =	vst v6;
	v2 =	vld.idx.msk [tilespmem:v11+s4+$0x0], $0xffff  }
0x240: {  	[tilespmem:s14+$0xFFFFFFF0] =	vst v7;
	v3 =	vld.idx.msk [tilespmem:v12+s4+$0x0], $0xffff  }
0x241: {  	[tilespmem:s14+$0xFFFFFF80] =	vst v15;
	v4 =	vld.idx.msk [tilespmem:v13+s4+$0x0], $0xffff  }
0x242: {  	s15 =	simm.s32 $0x0;
	s16 =	simm.s32 $0x19880;
	[tilespmem:s14+$0x0] =	vst v8;
	v5 =	vld.idx.msk [tilespmem:v14+s4+$0x0], $0xffff  }
.LBB2_17:
0x243: {  	v6 =	vld [tilespmem:s16+$0x70];
	s15 =	sadd.s32 $0x100, s15;
	[tilespmem:s14+$0x10] =	vst v0  }
0x244: {  	v0 =	vld [tilespmem:s16+$0xFFFFFF90];
	p1 =	slt.u32 s15, $0xF00;
	[tilespmem:s14+$0x20] =	vst v1  }
0x245: {  	v1 =	vld [tilespmem:s16+$0xFFFFFFA0];
	[tilespmem:s14+$0x30] =	vst v2  }
0x246: {  	v2 =	vld [tilespmem:s16+$0xFFFFFFB0];
	[tilespmem:s14+$0x40] =	vst v3  }
0x247: {  	v3 =	vld [tilespmem:s16+$0xFFFFFFC0];
	[tilespmem:s14+$0x50] =	vst v4  }
0x248: {  	v4 =	vld [tilespmem:s16+$0xFFFFFFD0];
	[tilespmem:s14+$0x60] =	vst v5  }
0x249: {  	v5 =	vld [tilespmem:s16+$0xFFFFFFE0]  }
0x24a: {  	v7 =	vld [tilespmem:s16+$0xFFFFFFF0]  }
0x24b: {  	v6 =	vld.idx.msk [tilespmem:v6+s4+$0x0], $0xffff  }
0x24c: {  	v8 =	vld [tilespmem:s16+$0x0]  }
0x24d: {  	v9 =	vld [tilespmem:s16+$0x10]  }
0x24e: {  	v10 =	vld [tilespmem:s16+$0x20]  }
0x24f: {  	v11 =	vld [tilespmem:s16+$0x30]  }
0x250: {  	s14 =	sadd.s32 $0x100, s14;
	v12 =	vld [tilespmem:s16+$0x40]  }
0x251: {  	v13 =	vld [tilespmem:s16+$0x50];
	[tilespmem:s14+$0x70] =	vst v6  }
0x252: {  	v6 =	vld [tilespmem:s16+$0x60]  }
0x253: {  	v14 =	vld [tilespmem:s16+$0xFFFFFF80]  }
0x254: {  	v0 =	vld.idx.msk [tilespmem:v0+s4+$0x0], $0xffff  }
0x255: {  	v1 =	vld.idx.msk [tilespmem:v1+s4+$0x0], $0xffff  }
0x256: {  	v2 =	vld.idx.msk [tilespmem:v2+s4+$0x0], $0xffff  }
0x257: {  	v3 =	vld.idx.msk [tilespmem:v3+s4+$0x0], $0xffff  }
0x258: {  	v4 =	vld.idx.msk [tilespmem:v4+s4+$0x0], $0xffff  }
0x259: {  	v5 =	vld.idx.msk [tilespmem:v5+s4+$0x0], $0xffff  }
0x25a: {  	[tilespmem:s14+$0xFFFFFF90] =	vst v0;
	v7 =	vld.idx.msk [tilespmem:v7+s4+$0x0], $0xffff  }
0x25b: {  	v14 =	vld.idx.msk [tilespmem:v14+s4+$0x0], $0xffff;
	[tilespmem:s14+$0xFFFFFFA0] =	vst v1  }
0x25c: {  	[tilespmem:s14+$0xFFFFFFB0] =	vst v2;
	v8 =	vld.idx.msk [tilespmem:v8+s4+$0x0], $0xffff  }
0x25d: {  	[tilespmem:s14+$0xFFFFFFC0] =	vst v3;
	v0 =	vld.idx.msk [tilespmem:v9+s4+$0x0], $0xffff  }
.Ltmp7:
0x25e: {  	[tilespmem:s14+$0xFFFFFFD0] =	vst v4;
	v1 =	vld.idx.msk [tilespmem:v10+s4+$0x0], $0xffff;
	(pc) =	sbr.rel @p1 .LBB2_17-.Ltmp7, $4  }
0x25f: {  	[tilespmem:s14+$0xFFFFFFE0] =	vst v5;
	v2 =	vld.idx.msk [tilespmem:v11+s4+$0x0], $0xffff  }
0x260: {  	[tilespmem:s14+$0xFFFFFFF0] =	vst v7;
	v3 =	vld.idx.msk [tilespmem:v12+s4+$0x0], $0xffff  }
0x261: {  	[tilespmem:s14+$0xFFFFFF80] =	vst v14;
	v4 =	vld.idx.msk [tilespmem:v13+s4+$0x0], $0xffff  }
0x262: {  	s16 =	sadd.s32 $0x100, s16;
	[tilespmem:s14+$0x0] =	vst v8;
	v5 =	vld.idx.msk [tilespmem:v6+s4+$0x0], $0xffff  }
0x263: {  	[tilespmem:s14+$0x10] =	vst v0  }
0x264: {  	[tilespmem:s14+$0x20] =	vst v1  }
0x265: {  	[tilespmem:s14+$0x30] =	vst v2  }
0x266: {  	s12 =	sadd.s32 s13, s12;
	[tilespmem:s14+$0x40] =	vst v3  }
0x267: {  	s11 =	sadd.s32 $0x4, s11;
	s12 =	sshrl.u32 s12, $0x3;
	[tilespmem:s14+$0x50] =	vst v4  }
0x268: {  	s15 =	sshll.u32 s11, $0x4;
	s12 =	sadd.s32 s2, s12;
	[tilespmem:s14+$0x60] =	vst v5  }
0x269: {  	[hbm4b:s12+s17] =	stream.strided.scatter [tilespmem:s26], [sflag:$0x5], $0x1000, s18, s17, $0x38;
	[tilespmem:$0x1E700] =	vst v63  }
0x26a: {  	s11 =	sshll.u32 s11, $0x9;
	s12 =	sand.u32 $0x70, s15  }
0x26b: {  	s11 =	sand.u32 $0x7F000, s11;
	s12 =	sadd.s32 s1, s12  }
0x26c: {  	s11 =	sadd.s32 s11, s12  }
0x26d: {  	[tilespmem:s21], [sflag:$0x2] =	stream.strided.gather [hbm4b:s11+s17], $0x1000, s18, s17, $0x38;
	[tilespmem:$0x1E700] =	vst v63  }
0x26e: {  	_ =	swait.ge [sflag:s28], $0x1000  }
0x26f: {  	[sflag:s28] =	ssyncset.done $0x0  }
0x270: {  	s11 =	simm.s32 @!p0 $0x6;
	[sflag:s28] =	ssyncadd.s32 $0xFFFFF000  }
0x271: {  	_ =	swait.ge @!p0 [sflag:s11], $0x1000  }
0x272: {  	[sflag:s11] =	ssyncset.done @!p0 $0x0  }
0x273: {  	s16 =	simm.s32 $0x1A780;
	[sflag:s11] =	ssyncadd.s32 @!p0 $0xFFFFF000  }
0x274: {  	v0 =	vld [tilespmem:s16+$0x70]  }
0x275: {  	v1 =	vld [tilespmem:s16+$0xFFFFFF90]  }
0x276: {  	v2 =	vld [tilespmem:s16+$0xFFFFFFA0]  }
0x277: {  	v3 =	vld [tilespmem:s16+$0xFFFFFFB0]  }
0x278: {  	v4 =	vld [tilespmem:s16+$0xFFFFFFC0]  }
0x279: {  	v5 =	vld [tilespmem:s16+$0xFFFFFFD0]  }
0x27a: {  	v6 =	vld [tilespmem:s16+$0xFFFFFFE0]  }
0x27b: {  	v7 =	vld [tilespmem:s16+$0xFFFFFFF0]  }
0x27c: {  	v8 =	vld [tilespmem:s16+$0x0]  }
0x27d: {  	v9 =	vld [tilespmem:s16+$0x10]  }
0x27e: {  	v10 =	vld [tilespmem:s16+$0x20]  }
0x27f: {  	v11 =	vld [tilespmem:s16+$0x30]  }
0x280: {  	v12 =	vld [tilespmem:s16+$0x40]  }
0x281: {  	v13 =	vld [tilespmem:s16+$0x50]  }
0x282: {  	v14 =	vld [tilespmem:s16+$0x60]  }
0x283: {  	v15 =	vld [tilespmem:s16+$0xFFFFFF80]  }
0x284: {  	v0 =	vld.idx.msk [tilespmem:v0+s4+$0x0], $0xffff  }
0x285: {  	v1 =	vld.idx.msk [tilespmem:v1+s4+$0x0], $0xffff  }
0x286: {  	v2 =	vld.idx.msk [tilespmem:v2+s4+$0x0], $0xffff  }
0x287: {  	v3 =	vld.idx.msk [tilespmem:v3+s4+$0x0], $0xffff  }
0x288: {  	v4 =	vld.idx.msk [tilespmem:v4+s4+$0x0], $0xffff  }
0x289: {  	s11 =	simm.s32 $0x1D780;
	v5 =	vld.idx.msk [tilespmem:v5+s4+$0x0], $0xffff  }
0x28a: {  	v6 =	vld.idx.msk [tilespmem:v6+s4+$0x0], $0xffff;
	[tilespmem:s11+$0x70] =	vst v0  }
0x28b: {  	v7 =	vld.idx.msk [tilespmem:v7+s4+$0x0], $0xffff;
	[tilespmem:s11+$0xFFFFFF90] =	vst v1  }
0x28c: {  	v15 =	vld.idx.msk [tilespmem:v15+s4+$0x0], $0xffff;
	[tilespmem:s11+$0xFFFFFFA0] =	vst v2  }
0x28d: {  	v8 =	vld.idx.msk [tilespmem:v8+s4+$0x0], $0xffff;
	[tilespmem:s11+$0xFFFFFFB0] =	vst v3  }
0x28e: {  	[tilespmem:s11+$0xFFFFFFC0] =	vst v4;
	v0 =	vld.idx.msk [tilespmem:v9+s4+$0x0], $0xffff  }
0x28f: {  	[tilespmem:s11+$0xFFFFFFD0] =	vst v5;
	v1 =	vld.idx.msk [tilespmem:v10+s4+$0x0], $0xffff  }
0x290: {  	[tilespmem:s11+$0xFFFFFFE0] =	vst v6;
	v2 =	vld.idx.msk [tilespmem:v11+s4+$0x0], $0xffff  }
0x291: {  	[tilespmem:s11+$0xFFFFFFF0] =	vst v7;
	v3 =	vld.idx.msk [tilespmem:v12+s4+$0x0], $0xffff  }
0x292: {  	[tilespmem:s11+$0xFFFFFF80] =	vst v15;
	v4 =	vld.idx.msk [tilespmem:v13+s4+$0x0], $0xffff  }
0x293: {  	s14 =	simm.s32 $0x1A880;
	s12 =	simm.s32 $0x0;
	[tilespmem:s11+$0x0] =	vst v8;
	v5 =	vld.idx.msk [tilespmem:v14+s4+$0x0], $0xffff  }
.LBB2_19:
0x294: {  	v6 =	vld [tilespmem:s14+$0x70];
	s12 =	sadd.s32 $0x100, s12;
	[tilespmem:s11+$0x10] =	vst v0  }
0x295: {  	v0 =	vld [tilespmem:s14+$0xFFFFFF90];
	p0 =	slt.u32 s12, $0xF00;
	[tilespmem:s11+$0x20] =	vst v1  }
0x296: {  	v1 =	vld [tilespmem:s14+$0xFFFFFFA0];
	[tilespmem:s11+$0x30] =	vst v2  }
0x297: {  	v2 =	vld [tilespmem:s14+$0xFFFFFFB0];
	[tilespmem:s11+$0x40] =	vst v3  }
0x298: {  	v3 =	vld [tilespmem:s14+$0xFFFFFFC0];
	[tilespmem:s11+$0x50] =	vst v4  }
0x299: {  	v4 =	vld [tilespmem:s14+$0xFFFFFFD0];
	[tilespmem:s11+$0x60] =	vst v5  }
0x29a: {  	v5 =	vld [tilespmem:s14+$0xFFFFFFE0]  }
0x29b: {  	v7 =	vld [tilespmem:s14+$0xFFFFFFF0]  }
0x29c: {  	v6 =	vld.idx.msk [tilespmem:v6+s4+$0x0], $0xffff  }
0x29d: {  	v8 =	vld [tilespmem:s14+$0x0]  }
0x29e: {  	v9 =	vld [tilespmem:s14+$0x10]  }
0x29f: {  	v10 =	vld [tilespmem:s14+$0x20]  }
0x2a0: {  	v11 =	vld [tilespmem:s14+$0x30]  }
0x2a1: {  	s11 =	sadd.s32 $0x100, s11;
	v12 =	vld [tilespmem:s14+$0x40]  }
0x2a2: {  	v13 =	vld [tilespmem:s14+$0x50];
	[tilespmem:s11+$0x70] =	vst v6  }
0x2a3: {  	v6 =	vld [tilespmem:s14+$0x60]  }
0x2a4: {  	v14 =	vld [tilespmem:s14+$0xFFFFFF80]  }
0x2a5: {  	v0 =	vld.idx.msk [tilespmem:v0+s4+$0x0], $0xffff  }
0x2a6: {  	v1 =	vld.idx.msk [tilespmem:v1+s4+$0x0], $0xffff  }
0x2a7: {  	v2 =	vld.idx.msk [tilespmem:v2+s4+$0x0], $0xffff  }
0x2a8: {  	v3 =	vld.idx.msk [tilespmem:v3+s4+$0x0], $0xffff  }
0x2a9: {  	v4 =	vld.idx.msk [tilespmem:v4+s4+$0x0], $0xffff  }
0x2aa: {  	v5 =	vld.idx.msk [tilespmem:v5+s4+$0x0], $0xffff  }
0x2ab: {  	[tilespmem:s11+$0xFFFFFF90] =	vst v0;
	v7 =	vld.idx.msk [tilespmem:v7+s4+$0x0], $0xffff  }
0x2ac: {  	v14 =	vld.idx.msk [tilespmem:v14+s4+$0x0], $0xffff;
	[tilespmem:s11+$0xFFFFFFA0] =	vst v1  }
0x2ad: {  	[tilespmem:s11+$0xFFFFFFB0] =	vst v2;
	v8 =	vld.idx.msk [tilespmem:v8+s4+$0x0], $0xffff  }
0x2ae: {  	[tilespmem:s11+$0xFFFFFFC0] =	vst v3;
	v0 =	vld.idx.msk [tilespmem:v9+s4+$0x0], $0xffff  }
.Ltmp8:
0x2af: {  	[tilespmem:s11+$0xFFFFFFD0] =	vst v4;
	v1 =	vld.idx.msk [tilespmem:v10+s4+$0x0], $0xffff;
	(pc) =	sbr.rel @p0 .LBB2_19-.Ltmp8, $4  }
0x2b0: {  	[tilespmem:s11+$0xFFFFFFE0] =	vst v5;
	v2 =	vld.idx.msk [tilespmem:v11+s4+$0x0], $0xffff  }
0x2b1: {  	[tilespmem:s11+$0xFFFFFFF0] =	vst v7;
	v3 =	vld.idx.msk [tilespmem:v12+s4+$0x0], $0xffff  }
0x2b2: {  	[tilespmem:s11+$0xFFFFFF80] =	vst v14;
	v4 =	vld.idx.msk [tilespmem:v13+s4+$0x0], $0xffff  }
0x2b3: {  	s14 =	sadd.s32 $0x100, s14;
	[tilespmem:s11+$0x0] =	vst v8;
	v5 =	vld.idx.msk [tilespmem:v6+s4+$0x0], $0xffff  }
0x2b4: {  	[tilespmem:s11+$0x10] =	vst v0;
	s5 =	sadd.s32 $0x1, s5  }
0x2b5: {  	[tilespmem:s11+$0x20] =	vst v1;
	p0 =	sne.s32 s5, $0x42  }
.Ltmp9:
0x2b6: {  	s9 =	sshll.u32 s9, $0x12;
	[tilespmem:s11+$0x30] =	vst v2;
	(pc) =	sbr.rel @p0 .LBB2_14-.Ltmp9, $4  }
0x2b7: {  	s9 =	sor.u32 s10, s9;
	[tilespmem:s11+$0x40] =	vst v3  }
0x2b8: {  	s9 =	sshrl.u32 s9, $0x3;
	[tilespmem:s11+$0x50] =	vst v4  }
0x2b9: {  	s9 =	sadd.s32 s2, s9;
	[tilespmem:s11+$0x60] =	vst v5  }
0x2ba: {  	[hbm4b:s9+s17] =	stream.strided.scatter [tilespmem:s29], [sflag:$0x6], $0x1000, s18, s17, $0x38;
	[tilespmem:$0x1E700] =	vst v63  }
0x2bb: {  	_ =	swait.ge [sflag:s23], $0x1000  }
0x2bc: {  	[sflag:s23] =	ssyncset.done $0x0  }
0x2bd: {  	[sflag:s23] =	ssyncadd.s32 $0xFFFFF000  }
0x2be: {  	_ =	swait.ge [sflag:s30], $0x1000  }
0x2bf: {  	[sflag:s30] =	ssyncset.done $0x0  }
0x2c0: {  	s5 =	simm.s32 $0x18780;
	[sflag:s30] =	ssyncadd.s32 $0xFFFFF000  }
0x2c1: {  	v0 =	vld [tilespmem:s5+$0x70]  }
0x2c2: {  	v1 =	vld [tilespmem:s5+$0xFFFFFF90]  }
0x2c3: {  	v2 =	vld [tilespmem:s5+$0xFFFFFFA0]  }
0x2c4: {  	v3 =	vld [tilespmem:s5+$0xFFFFFFB0]  }
0x2c5: {  	v4 =	vld [tilespmem:s5+$0xFFFFFFC0]  }
0x2c6: {  	v5 =	vld [tilespmem:s5+$0xFFFFFFD0]  }
0x2c7: {  	v6 =	vld [tilespmem:s5+$0xFFFFFFE0]  }
0x2c8: {  	v7 =	vld [tilespmem:s5+$0xFFFFFFF0]  }
0x2c9: {  	v8 =	vld [tilespmem:s5+$0x0]  }
0x2ca: {  	v9 =	vld [tilespmem:s5+$0x10]  }
0x2cb: {  	v10 =	vld [tilespmem:s5+$0x20]  }
0x2cc: {  	v11 =	vld [tilespmem:s5+$0x30]  }
0x2cd: {  	v12 =	vld [tilespmem:s5+$0x40]  }
0x2ce: {  	v13 =	vld [tilespmem:s5+$0x50]  }
0x2cf: {  	v14 =	vld [tilespmem:s5+$0x60]  }
0x2d0: {  	v15 =	vld [tilespmem:s5+$0xFFFFFF80]  }
0x2d1: {  	v0 =	vld.idx.msk [tilespmem:v0+s4+$0x0], $0xffff  }
0x2d2: {  	v1 =	vld.idx.msk [tilespmem:v1+s4+$0x0], $0xffff  }
0x2d3: {  	v2 =	vld.idx.msk [tilespmem:v2+s4+$0x0], $0xffff  }
0x2d4: {  	v3 =	vld.idx.msk [tilespmem:v3+s4+$0x0], $0xffff  }
0x2d5: {  	v4 =	vld.idx.msk [tilespmem:v4+s4+$0x0], $0xffff  }
0x2d6: {  	s5 =	simm.s32 $0x1B780;
	v5 =	vld.idx.msk [tilespmem:v5+s4+$0x0], $0xffff  }
0x2d7: {  	v6 =	vld.idx.msk [tilespmem:v6+s4+$0x0], $0xffff;
	[tilespmem:s5+$0x70] =	vst v0  }
0x2d8: {  	v7 =	vld.idx.msk [tilespmem:v7+s4+$0x0], $0xffff;
	[tilespmem:s5+$0xFFFFFF90] =	vst v1  }
0x2d9: {  	v15 =	vld.idx.msk [tilespmem:v15+s4+$0x0], $0xffff;
	[tilespmem:s5+$0xFFFFFFA0] =	vst v2  }
0x2da: {  	v8 =	vld.idx.msk [tilespmem:v8+s4+$0x0], $0xffff;
	[tilespmem:s5+$0xFFFFFFB0] =	vst v3  }
0x2db: {  	[tilespmem:s5+$0xFFFFFFC0] =	vst v4;
	v0 =	vld.idx.msk [tilespmem:v9+s4+$0x0], $0xffff  }
0x2dc: {  	[tilespmem:s5+$0xFFFFFFD0] =	vst v5;
	v1 =	vld.idx.msk [tilespmem:v10+s4+$0x0], $0xffff  }
0x2dd: {  	[tilespmem:s5+$0xFFFFFFE0] =	vst v6;
	v2 =	vld.idx.msk [tilespmem:v11+s4+$0x0], $0xffff  }
0x2de: {  	[tilespmem:s5+$0xFFFFFFF0] =	vst v7;
	v3 =	vld.idx.msk [tilespmem:v12+s4+$0x0], $0xffff  }
0x2df: {  	[tilespmem:s5+$0xFFFFFF80] =	vst v15;
	v4 =	vld.idx.msk [tilespmem:v13+s4+$0x0], $0xffff  }
0x2e0: {  	s9 =	simm.s32 $0x0;
	s11 =	simm.s32 $0x18880;
	[tilespmem:s5+$0x0] =	vst v8;
	v5 =	vld.idx.msk [tilespmem:v14+s4+$0x0], $0xffff  }
.LBB2_22:
0x2e1: {  	v6 =	vld [tilespmem:s11+$0x70];
	s9 =	sadd.s32 $0x100, s9;
	[tilespmem:s5+$0x10] =	vst v0  }
0x2e2: {  	v0 =	vld [tilespmem:s11+$0xFFFFFF90];
	p0 =	slt.u32 s9, $0xF00;
	[tilespmem:s5+$0x20] =	vst v1  }
0x2e3: {  	v1 =	vld [tilespmem:s11+$0xFFFFFFA0];
	[tilespmem:s5+$0x30] =	vst v2  }
0x2e4: {  	v2 =	vld [tilespmem:s11+$0xFFFFFFB0];
	[tilespmem:s5+$0x40] =	vst v3  }
0x2e5: {  	v3 =	vld [tilespmem:s11+$0xFFFFFFC0];
	[tilespmem:s5+$0x50] =	vst v4  }
0x2e6: {  	v4 =	vld [tilespmem:s11+$0xFFFFFFD0];
	[tilespmem:s5+$0x60] =	vst v5  }
0x2e7: {  	v5 =	vld [tilespmem:s11+$0xFFFFFFE0]  }
0x2e8: {  	v7 =	vld [tilespmem:s11+$0xFFFFFFF0]  }
0x2e9: {  	v6 =	vld.idx.msk [tilespmem:v6+s4+$0x0], $0xffff  }
0x2ea: {  	v8 =	vld [tilespmem:s11+$0x0]  }
0x2eb: {  	v9 =	vld [tilespmem:s11+$0x10]  }
0x2ec: {  	v10 =	vld [tilespmem:s11+$0x20]  }
0x2ed: {  	v11 =	vld [tilespmem:s11+$0x30]  }
0x2ee: {  	s5 =	sadd.s32 $0x100, s5;
	v12 =	vld [tilespmem:s11+$0x40]  }
0x2ef: {  	v13 =	vld [tilespmem:s11+$0x50];
	[tilespmem:s5+$0x70] =	vst v6  }
0x2f0: {  	v6 =	vld [tilespmem:s11+$0x60]  }
0x2f1: {  	v14 =	vld [tilespmem:s11+$0xFFFFFF80]  }
0x2f2: {  	v0 =	vld.idx.msk [tilespmem:v0+s4+$0x0], $0xffff  }
0x2f3: {  	v1 =	vld.idx.msk [tilespmem:v1+s4+$0x0], $0xffff  }
0x2f4: {  	v2 =	vld.idx.msk [tilespmem:v2+s4+$0x0], $0xffff  }
0x2f5: {  	v3 =	vld.idx.msk [tilespmem:v3+s4+$0x0], $0xffff  }
0x2f6: {  	v4 =	vld.idx.msk [tilespmem:v4+s4+$0x0], $0xffff  }
0x2f7: {  	v5 =	vld.idx.msk [tilespmem:v5+s4+$0x0], $0xffff  }
0x2f8: {  	[tilespmem:s5+$0xFFFFFF90] =	vst v0;
	v7 =	vld.idx.msk [tilespmem:v7+s4+$0x0], $0xffff  }
0x2f9: {  	v14 =	vld.idx.msk [tilespmem:v14+s4+$0x0], $0xffff;
	[tilespmem:s5+$0xFFFFFFA0] =	vst v1  }
0x2fa: {  	[tilespmem:s5+$0xFFFFFFB0] =	vst v2;
	v8 =	vld.idx.msk [tilespmem:v8+s4+$0x0], $0xffff  }
0x2fb: {  	[tilespmem:s5+$0xFFFFFFC0] =	vst v3;
	v0 =	vld.idx.msk [tilespmem:v9+s4+$0x0], $0xffff  }
.Ltmp10:
0x2fc: {  	[tilespmem:s5+$0xFFFFFFD0] =	vst v4;
	v1 =	vld.idx.msk [tilespmem:v10+s4+$0x0], $0xffff;
	(pc) =	sbr.rel @p0 .LBB2_22-.Ltmp10, $4  }
0x2fd: {  	[tilespmem:s5+$0xFFFFFFE0] =	vst v5;
	v2 =	vld.idx.msk [tilespmem:v11+s4+$0x0], $0xffff  }
0x2fe: {  	[tilespmem:s5+$0xFFFFFFF0] =	vst v7;
	v3 =	vld.idx.msk [tilespmem:v12+s4+$0x0], $0xffff  }
0x2ff: {  	[tilespmem:s5+$0xFFFFFF80] =	vst v14;
	v4 =	vld.idx.msk [tilespmem:v13+s4+$0x0], $0xffff  }
0x300: {  	s11 =	sadd.s32 $0x100, s11;
	[tilespmem:s5+$0x0] =	vst v8;
	v5 =	vld.idx.msk [tilespmem:v6+s4+$0x0], $0xffff  }
0x301: {  	[tilespmem:s5+$0x10] =	vst v0  }
0x302: {  	[tilespmem:s5+$0x20] =	vst v1  }
0x303: {  	[tilespmem:s5+$0x30] =	vst v2  }
0x304: {  	[tilespmem:s5+$0x40] =	vst v3  }
0x305: {  	[tilespmem:s5+$0x50] =	vst v4  }
0x306: {  	[tilespmem:s5+$0x60] =	vst v5  }
0x307: {  	s5 =	rddreg [dreg:$0x8]  }
0x308: {  	[hbm4b:s5+s17] =	stream.strided.scatter [tilespmem:s24], [sflag:$0x4], $0x1000, s18, s17, $0x38;
	[tilespmem:$0x1E700] =	vst v63  }
0x309: {  	_ =	swait.ge [sflag:s25], $0x1000  }
0x30a: {  	[sflag:s25] =	ssyncset.done $0x0  }
0x30b: {  	[sflag:s25] =	ssyncadd.s32 $0xFFFFF000  }
0x30c: {  	_ =	swait.ge [sflag:s31], $0x1000  }
0x30d: {  	[sflag:s31] =	ssyncset.done $0x0  }
0x30e: {  	s16 =	simm.s32 $0x19780;
	[sflag:s31] =	ssyncadd.s32 $0xFFFFF000  }
0x30f: {  	v0 =	vld [tilespmem:s16+$0x70]  }
0x310: {  	v1 =	vld [tilespmem:s16+$0xFFFFFF90]  }
0x311: {  	v2 =	vld [tilespmem:s16+$0xFFFFFFA0]  }
0x312: {  	v3 =	vld [tilespmem:s16+$0xFFFFFFB0]  }
0x313: {  	v4 =	vld [tilespmem:s16+$0xFFFFFFC0]  }
0x314: {  	v5 =	vld [tilespmem:s16+$0xFFFFFFD0]  }
0x315: {  	v6 =	vld [tilespmem:s16+$0xFFFFFFE0]  }
0x316: {  	v7 =	vld [tilespmem:s16+$0xFFFFFFF0]  }
0x317: {  	v8 =	vld [tilespmem:s16+$0x0]  }
0x318: {  	v9 =	vld [tilespmem:s16+$0x10]  }
0x319: {  	v10 =	vld [tilespmem:s16+$0x20]  }
0x31a: {  	v11 =	vld [tilespmem:s16+$0x30]  }
0x31b: {  	v12 =	vld [tilespmem:s16+$0x40]  }
0x31c: {  	v13 =	vld [tilespmem:s16+$0x50]  }
0x31d: {  	v14 =	vld [tilespmem:s16+$0x60]  }
0x31e: {  	v15 =	vld [tilespmem:s16+$0xFFFFFF80]  }
0x31f: {  	v0 =	vld.idx.msk [tilespmem:v0+s4+$0x0], $0xffff  }
0x320: {  	v1 =	vld.idx.msk [tilespmem:v1+s4+$0x0], $0xffff  }
0x321: {  	v2 =	vld.idx.msk [tilespmem:v2+s4+$0x0], $0xffff  }
0x322: {  	v3 =	vld.idx.msk [tilespmem:v3+s4+$0x0], $0xffff  }
0x323: {  	v4 =	vld.idx.msk [tilespmem:v4+s4+$0x0], $0xffff  }
0x324: {  	s5 =	simm.s32 $0x1C780;
	v5 =	vld.idx.msk [tilespmem:v5+s4+$0x0], $0xffff  }
0x325: {  	v6 =	vld.idx.msk [tilespmem:v6+s4+$0x0], $0xffff;
	[tilespmem:s5+$0x70] =	vst v0  }
0x326: {  	v7 =	vld.idx.msk [tilespmem:v7+s4+$0x0], $0xffff;
	[tilespmem:s5+$0xFFFFFF90] =	vst v1  }
0x327: {  	v15 =	vld.idx.msk [tilespmem:v15+s4+$0x0], $0xffff;
	[tilespmem:s5+$0xFFFFFFA0] =	vst v2  }
0x328: {  	v8 =	vld.idx.msk [tilespmem:v8+s4+$0x0], $0xffff;
	[tilespmem:s5+$0xFFFFFFB0] =	vst v3  }
0x329: {  	[tilespmem:s5+$0xFFFFFFC0] =	vst v4;
	v0 =	vld.idx.msk [tilespmem:v9+s4+$0x0], $0xffff  }
0x32a: {  	[tilespmem:s5+$0xFFFFFFD0] =	vst v5;
	v1 =	vld.idx.msk [tilespmem:v10+s4+$0x0], $0xffff  }
0x32b: {  	[tilespmem:s5+$0xFFFFFFE0] =	vst v6;
	v2 =	vld.idx.msk [tilespmem:v11+s4+$0x0], $0xffff  }
0x32c: {  	[tilespmem:s5+$0xFFFFFFF0] =	vst v7;
	v3 =	vld.idx.msk [tilespmem:v12+s4+$0x0], $0xffff  }
0x32d: {  	[tilespmem:s5+$0xFFFFFF80] =	vst v15;
	v4 =	vld.idx.msk [tilespmem:v13+s4+$0x0], $0xffff  }
0x32e: {  	s9 =	simm.s32 $0x0;
	s11 =	simm.s32 $0x19880;
	[tilespmem:s5+$0x0] =	vst v8;
	v5 =	vld.idx.msk [tilespmem:v14+s4+$0x0], $0xffff  }
.LBB2_24:
0x32f: {  	v6 =	vld [tilespmem:s11+$0x70];
	s9 =	sadd.s32 $0x100, s9;
	[tilespmem:s5+$0x10] =	vst v0  }
0x330: {  	v0 =	vld [tilespmem:s11+$0xFFFFFF90];
	p0 =	slt.u32 s9, $0xF00;
	[tilespmem:s5+$0x20] =	vst v1  }
0x331: {  	v1 =	vld [tilespmem:s11+$0xFFFFFFA0];
	[tilespmem:s5+$0x30] =	vst v2  }
0x332: {  	v2 =	vld [tilespmem:s11+$0xFFFFFFB0];
	[tilespmem:s5+$0x40] =	vst v3  }
0x333: {  	v3 =	vld [tilespmem:s11+$0xFFFFFFC0];
	[tilespmem:s5+$0x50] =	vst v4  }
0x334: {  	v4 =	vld [tilespmem:s11+$0xFFFFFFD0];
	[tilespmem:s5+$0x60] =	vst v5  }
0x335: {  	v5 =	vld [tilespmem:s11+$0xFFFFFFE0]  }
0x336: {  	v7 =	vld [tilespmem:s11+$0xFFFFFFF0]  }
0x337: {  	v6 =	vld.idx.msk [tilespmem:v6+s4+$0x0], $0xffff  }
0x338: {  	v8 =	vld [tilespmem:s11+$0x0]  }
0x339: {  	v9 =	vld [tilespmem:s11+$0x10]  }
0x33a: {  	v10 =	vld [tilespmem:s11+$0x20]  }
0x33b: {  	v11 =	vld [tilespmem:s11+$0x30]  }
0x33c: {  	s5 =	sadd.s32 $0x100, s5;
	v12 =	vld [tilespmem:s11+$0x40]  }
0x33d: {  	v13 =	vld [tilespmem:s11+$0x50];
	[tilespmem:s5+$0x70] =	vst v6  }
0x33e: {  	v6 =	vld [tilespmem:s11+$0x60]  }
0x33f: {  	v14 =	vld [tilespmem:s11+$0xFFFFFF80]  }
0x340: {  	v0 =	vld.idx.msk [tilespmem:v0+s4+$0x0], $0xffff  }
0x341: {  	v1 =	vld.idx.msk [tilespmem:v1+s4+$0x0], $0xffff  }
0x342: {  	v2 =	vld.idx.msk [tilespmem:v2+s4+$0x0], $0xffff  }
0x343: {  	v3 =	vld.idx.msk [tilespmem:v3+s4+$0x0], $0xffff  }
0x344: {  	v4 =	vld.idx.msk [tilespmem:v4+s4+$0x0], $0xffff  }
0x345: {  	v5 =	vld.idx.msk [tilespmem:v5+s4+$0x0], $0xffff  }
0x346: {  	[tilespmem:s5+$0xFFFFFF90] =	vst v0;
	v7 =	vld.idx.msk [tilespmem:v7+s4+$0x0], $0xffff  }
0x347: {  	v14 =	vld.idx.msk [tilespmem:v14+s4+$0x0], $0xffff;
	[tilespmem:s5+$0xFFFFFFA0] =	vst v1  }
0x348: {  	[tilespmem:s5+$0xFFFFFFB0] =	vst v2;
	v8 =	vld.idx.msk [tilespmem:v8+s4+$0x0], $0xffff  }
0x349: {  	[tilespmem:s5+$0xFFFFFFC0] =	vst v3;
	v0 =	vld.idx.msk [tilespmem:v9+s4+$0x0], $0xffff  }
.Ltmp11:
0x34a: {  	[tilespmem:s5+$0xFFFFFFD0] =	vst v4;
	v1 =	vld.idx.msk [tilespmem:v10+s4+$0x0], $0xffff;
	(pc) =	sbr.rel @p0 .LBB2_24-.Ltmp11, $4  }
0x34b: {  	[tilespmem:s5+$0xFFFFFFE0] =	vst v5;
	v2 =	vld.idx.msk [tilespmem:v11+s4+$0x0], $0xffff  }
0x34c: {  	[tilespmem:s5+$0xFFFFFFF0] =	vst v7;
	v3 =	vld.idx.msk [tilespmem:v12+s4+$0x0], $0xffff  }
0x34d: {  	[tilespmem:s5+$0xFFFFFF80] =	vst v14;
	v4 =	vld.idx.msk [tilespmem:v13+s4+$0x0], $0xffff  }
0x34e: {  	s11 =	sadd.s32 $0x100, s11;
	[tilespmem:s5+$0x0] =	vst v8;
	v5 =	vld.idx.msk [tilespmem:v6+s4+$0x0], $0xffff  }
0x34f: {  	[tilespmem:s5+$0x10] =	vst v0  }
0x350: {  	[tilespmem:s5+$0x20] =	vst v1  }
0x351: {  	[tilespmem:s5+$0x30] =	vst v2  }
0x352: {  	[tilespmem:s5+$0x40] =	vst v3  }
0x353: {  	[tilespmem:s5+$0x50] =	vst v4  }
0x354: {  	[tilespmem:s5+$0x60] =	vst v5  }
0x355: {  	s5 =	rddreg [dreg:$0x9]  }
0x356: {  	[hbm4b:s5+s17] =	stream.strided.scatter [tilespmem:s26], [sflag:$0x5], $0x1000, s18, s17, $0x38;
	[tilespmem:$0x1E700] =	vst v63  }
0x357: {  	_ =	swait.ge [sflag:s3], $0x1000  }
0x358: {  	[sflag:s3] =	ssyncset.done $0x0  }
0x359: {  	[sflag:s3] =	ssyncadd.s32 $0xFFFFF000  }
0x35a: {  	_ =	swait.ge [sflag:s30], $0x1000  }
0x35b: {  	[sflag:s30] =	ssyncset.done $0x0  }
0x35c: {  	[sflag:s30] =	ssyncadd.s32 $0xFFFFF000  }
0x35d: {  	_ =	swait.ge [sflag:s31], $0x1000  }
0x35e: {  	s0 =	sadd.s32 $0x1, s0;
	s16 =	rddreg [dreg:$0xa]  }
0x35f: {  	p0 =	sne.s32 s0, s16  }
.Ltmp12:
0x360: {  	_ = 	snop;
	(pc) =	sbr.rel @p0 .LBB2_1-.Ltmp12, $3  }
0x361: {  	_ =	sdelay $0x1  }
0x362: {  	[sflag:s31] =	ssyncset.done $0x0  }
0x363: {  	[sflag:s31] =	ssyncadd.s32 $0xFFFFF000  }
0x364: {  	_ =	sfence.sel $0x180000  }
0x365: {  	[bflag:$0x0] =	sbarrier.arrive $0xFFFF  }
0x366: {  	_ =	strace $0x90000047  }
0x367: {  	s0 =	stileid.u32;
	[bflag:$0x2] =	sbarrier.arrive $0xFFFF  }
0x368: {  	p0 =	sne.s32 s0, $0x0;
	s0 =	rddreg [dreg:$0x3]  }
0x369: {  	s0 =	sadd.s32 @!p0 $0x100000, s0  }
0x36a: {  	[sflag:s0] =	ssyncadd.tile.s32 @!p0 $0x1;
	_ =	shalt  }
.Lfunc_end2:
_tile_overlayer_lowered:
.L_overlay_start_2:
0x36b: {  	(tag) =	ssettag $0x2  }
0x36c: {  	s0 =	rddreg [dreg:$0x0];
	s2 =	stileid.u32  }
0x36d: {  	s1 =	rddreg [dreg:$0x1];
	p0 =	sne.s32 s2, $0x0  }
0x36e: {  	s3 =	rddreg [dreg:$0x2];
	[bflag:$0x3] =	sbarrier.arrive $0xFFFF;
	s2 =	simm.s32 @!p0 $0x1C07  }
0x36f: {  	[timem:s3], [sflag:s2] =	dma.local @!p0 [hbm:s0], s1  }
0x370: {  	s0 =	simm.s32 @!p0 $0x7  }
0x371: {  	_ =	swait.ge @!p0 [sflag:s0], s1  }
0x372: {  	s1 =	ssub.s32 @!p0 $0x0, s1;
	[sflag:s0] =	ssyncset.done @!p0 $0x0  }
0x373: {  	[sflag:s0] =	ssyncadd.s32 @!p0 s1  }
0x374: {  	[bflag:$0x3] =	sbarrier.arrive $0xFFFF  }
0x375: {  	_ =	shalt  }

</sc_bundles>
